<compile_context>
chip_gen: v7x
topology: tpu7x:2x2x1
jax: 0.10.2.dev20260603
libtpu: 0.0.44.dev20260713+nightly
codegen_flags: <defaults>
</compile_context>

<pallas_src>
import functools

import jax
import jax.numpy as jnp
from jax import lax
from jax.experimental import pallas as pl
from jax.experimental.pallas import tpu as pltpu
from jax.experimental.pallas import tpu_sc as plsc

N = 10000
E = 320000
R = 4
IN_SIZE = 128
OUT_SIZE = 128

NC = 2
NS = 16
NW = NC * NS

CH = 128
NB = 2
TOTAL_E = R * E
CHUNKS_PER_W = 320
NG = CHUNKS_PER_W // NB
PW = CHUNKS_PER_W * CH
TP = PW * NW
TPC = TP // CH
NPAD = 10112
DUMMY_DST = 10000
ZROWS = NPAD // NS


def _h_body(x_ref, w_ref, h_ref):
    h_ref[...] = jnp.dot(x_ref[...], w_ref[0], preferred_element_type=jnp.float32)


def _combine_body(p_ref, b_ref, o_ref):
    bias_sum = jnp.sum(b_ref[...], axis=0, keepdims=True)
    o_ref[...] = p_ref[0, :N] + p_ref[1, :N] + bias_sum


def _sc_agg(h, idx3d):
    mesh = plsc.VectorSubcoreMesh(core_axis_name="c", subcore_axis_name="s")

    @functools.partial(
        pl.kernel,
        mesh=mesh,
        out_type=jax.ShapeDtypeStruct((NC, NPAD, OUT_SIZE), jnp.float32),
        scratch_types=[
            pltpu.VMEM((NB, 2, CH), jnp.int32),
            pltpu.VMEM((NB, 2, CH), jnp.int32),
            pltpu.VMEM((CH, OUT_SIZE), jnp.float32),
            pltpu.VMEM((CH, OUT_SIZE), jnp.float32),
            pltpu.VMEM_SHARED((NPAD, OUT_SIZE), jnp.float32),
            pltpu.SemaphoreType.DMA,
            pltpu.SemaphoreType.DMA,
            pltpu.SemaphoreType.DMA,
            pltpu.SemaphoreType.DMA,
            pltpu.SemaphoreType.DMA,
            pltpu.SemaphoreType.DMA,
        ],
    )
    def sc_fn(h_hbm, idx_hbm, part_hbm,
              idx0, idx1, rows0, rows1, acc,
              sem_i0, sem_i1, sg0, sg1, ss0, ss1):
        rows = [rows0, rows1]
        sg = [sg0, sg1]
        ss = [ss0, ss1]
        cid = lax.axis_index("c")
        sid = lax.axis_index("s")
        wid = cid * NS + sid
        cbase = wid * CHUNKS_PER_W

        @pl.loop(0, CH)
        def _(i):
            @pl.loop(0, OUT_SIZE, step=16)
            def _(j):
                rows0[i, pl.ds(j, 16)] = jnp.zeros((16,), jnp.float32)

        zbase = sid * ZROWS
        @pl.loop(0, ZROWS // CH)
        def _(k):
            pltpu.sync_copy(rows0, acc.at[pl.ds(zbase + k * CH, CH)])
        pltpu.sync_copy(rows0.at[pl.ds(0, ZROWS % CH)],
                        acc.at[pl.ds(zbase + (ZROWS // CH) * CH, ZROWS % CH)])
        plsc.subcore_barrier()

        def idx_fire(g, buf, sem):
            return pltpu.async_copy(idx_hbm.at[pl.ds((cbase + g * NB), NB)],
                                    buf, sem)

        idx_fire(0, idx0, sem_i0)

        @pl.loop(0, NG, step=2)
        def _(g0):
            def do_group(g, ib, prev_scat):
                pltpu.make_async_copy(
                    idx_hbm.at[pl.ds(cbase + g * NB, NB)], ib,
                    sem_i0 if ib is idx0 else sem_i1).wait()
                gathers = []
                for b in range(NB):
                    if prev_scat is not None:
                        prev_scat[b].wait()
                    gathers.append(
                        pltpu.async_copy(h_hbm.at[ib.at[b, 0]], rows[b], sg[b]))
                scats = []
                for b in range(NB):
                    gathers[b].wait()
                    scats.append(
                        pltpu.async_copy(rows[b], acc.at[ib.at[b, 1]], ss[b],
                                         add=True))
                return scats

            idx_fire(g0 + 1, idx1, sem_i1)
            s_a = do_group(g0, idx0, None)
            @pl.when(g0 + 2 < NG)
            def _():
                idx_fire(g0 + 2, idx0, sem_i0)
            s_b = do_group(g0 + 1, idx1, s_a)
            for b in range(NB):
                s_b[b].wait()

        plsc.subcore_barrier()
        pltpu.sync_copy(acc.at[pl.ds(sid * ZROWS, ZROWS)],
                        part_hbm.at[cid, pl.ds(sid * ZROWS, ZROWS)])

    return sc_fn(h, idx3d)


def kernel(inp, edge_index, weights, bias):
    h = pl.pallas_call(
        _h_body,
        grid=(R, N // 1000),
        in_specs=[
            pl.BlockSpec((1000, IN_SIZE), lambda r, i: (i, 0)),
            pl.BlockSpec((1, IN_SIZE, OUT_SIZE), lambda r, i: (r, 0, 0)),
        ],
        out_specs=pl.BlockSpec((1000, OUT_SIZE), lambda r, i: (r * (N // 1000) + i, 0)),
        out_shape=jax.ShapeDtypeStruct((R * N, OUT_SIZE), jnp.float32),
    )(inp, weights)

    rel_off = (jnp.arange(R, dtype=jnp.int32) * N)[:, None]
    src_flat = (edge_index[:, 1, :] + rel_off).reshape(-1)
    dst_flat = edge_index[:, 0, :].reshape(-1)
    pad = TP - TOTAL_E
    src_flat = jnp.concatenate([src_flat, jnp.zeros((pad,), jnp.int32)])
    dst_flat = jnp.concatenate([dst_flat, jnp.full((pad,), DUMMY_DST, jnp.int32)])
    idx3d = jnp.stack([src_flat.reshape(TPC, CH), dst_flat.reshape(TPC, CH)],
                      axis=1)

    part = _sc_agg(h, idx3d)

    out = pl.pallas_call(
        _combine_body,
        out_shape=jax.ShapeDtypeStruct((N, OUT_SIZE), jnp.float32),
    )(part, bias)
    return out

# --- scband reference (transcript-rebuilt; emitter-appended) ---
"""Pipeline reference for scband-gcnlayer-25907242729954 (READ-ONLY COPY).

The authoritative reference and input builder live on the scoring server;
editing this copy changes nothing except your own understanding.
"""

import jax, jax.numpy as jnp
import numpy as np

N = 10000
E = 320000
R = 4
IN_SIZE = 128
OUT_SIZE = 128


def setup_inputs(seed: int = 0) -> dict:
    key = jax.random.key(seed)
    k1, k2, k3, k4 = jax.random.split(key, 4)
    inp = jax.random.normal(k1, (N, IN_SIZE), dtype=jnp.float32)
    # edge_index[r, 0, :] = dst (row of sparse adj), edge_index[r, 1, :] = src (col)
    edge_index = jax.random.randint(k2, (R, 2, E), 0, N, dtype=jnp.int32)
    # xavier_uniform over (n_rel, in_size, out_size): fan_in=in_size, fan_out=out_size
    limit_w = float(np.sqrt(6.0 / (IN_SIZE + OUT_SIZE)))
    weights = jax.random.uniform(k3, (R, IN_SIZE, OUT_SIZE), dtype=jnp.float32, minval=-limit_w, maxval=limit_w)
    # xavier_uniform over (n_rel, out_size): fan_in=out_size, fan_out=n_rel
    limit_b = float(np.sqrt(6.0 / (R + OUT_SIZE)))
    bias = jax.random.uniform(k4, (R, OUT_SIZE), dtype=jnp.float32, minval=-limit_b, maxval=limit_b)
    return {"inp": inp, "edge_index": edge_index, "weights": weights, "bias": bias}


def reference(inp, edge_index, weights, bias):
    # For each relation r: emb_acc[r] = A_r @ inp  (binary sparse adjacency),
    # implemented as gather(src) + scatter-add into dst rows.
    accs = []
    for r in range(R):
        dst = edge_index[r, 0]
        src = edge_index[r, 1]
        msgs = jnp.take(inp, src, axis=0)  # (E, in_size) gather
        accs.append(jax.ops.segment_sum(msgs, dst, num_segments=N))  # (N, in_size) scatter-add
    emb_acc = jnp.stack(accs, axis=0)  # (R, N, in_size)
    out_array = jnp.einsum('rni,rio->rno', emb_acc, weights)  # (R, N, out_size)
    out_array = out_array + bias[:, None, :]
    out = jnp.sum(out_array, axis=0)  # (N, out_size)
    return out

if __name__ == "__main__":
    import jax
    _d = setup_inputs()
    print(jax.jit(kernel)(*tuple(_d.values())))

</pallas_src>

<mosaic_0001>
#map = affine_map<(d0, d1) -> (0, 0)>
#map1 = affine_map<(d0, d1) -> (0, 0, 0)>
module attributes {stable_mosaic.version = 14 : i64} {
  func.func @sc_fn(%arg0: i32, %arg1: i32, %arg2: memref<40000x128xf32, #tpu.memory_space<hbm>>, %arg3: memref<10240x2x128xi32, #tpu.memory_space<hbm>>, %arg4: memref<2x10112x128xf32, #tpu.memory_space<hbm>>, %arg5: memref<2x2x128xi32, #tpu.memory_space<vmem>>, %arg6: memref<2x2x128xi32, #tpu.memory_space<vmem>>, %arg7: memref<128x128xf32, #tpu.memory_space<vmem>>, %arg8: memref<128x128xf32, #tpu.memory_space<vmem>>, %arg9: memref<10112x128xf32, #tpu.memory_space<vmem_shared>>, %arg10: memref<!tpu.dma_semaphore, #tpu.memory_space<semaphore_mem>>, %arg11: memref<!tpu.dma_semaphore, #tpu.memory_space<semaphore_mem>>, %arg12: memref<!tpu.dma_semaphore, #tpu.memory_space<semaphore_mem>>, %arg13: memref<!tpu.dma_semaphore, #tpu.memory_space<semaphore_mem>>, %arg14: memref<!tpu.dma_semaphore, #tpu.memory_space<semaphore_mem>>, %arg15: memref<!tpu.dma_semaphore, #tpu.memory_space<semaphore_mem>>) attributes {dimension_semantics = [#tpu.dimension_semantics<core_parallel>, #tpu.dimension_semantics<subcore_parallel>], iteration_bounds = array<i64: 2, 16>, scalar_prefetch = 0 : i64, scratch_operands = 11 : i64, tpu.core_type = #tpu.core_type<sc_vector_subcore>, window_params = [{transform_indices = #map}, {transform_indices = #map1}, {transform_indices = #map1}]} {
    %mul3A = arith.constant 16 : i32
    %mul3A_0 = arith.muli %arg0, %mul3A : i32
    %add3A = arith.addi %mul3A_0, %arg1 : i32
    %mul3A_1 = arith.constant 320 : i32
    %mul3A_2 = arith.muli %add3A, %mul3A_1 : i32
    %scan3A = arith.constant 0 : i32
    %scan3A_3 = arith.constant 128 : i32
    %scan3A_4 = arith.addi %scan3A, %scan3A_3 : i32
    %scan3A_5 = arith.constant 1 : i32
    scf.for %scan3A_33 = %scan3A to %scan3A_4 step %scan3A_5  : i32 {
      %mul3A_34 = arith.constant 1 : i32
      %mul3A_35 = arith.muli %scan3A_33, %mul3A_34 : i32
      %add3A_36 = arith.constant 0 : i32
      %add3A_37 = arith.addi %add3A_36, %mul3A_35 : i32
      %scan3A_38 = arith.constant 0 : i32
      %scan3A_39 = arith.constant 8 : i32
      %scan3A_40 = arith.addi %scan3A_38, %scan3A_39 : i32
      %scan3A_41 = arith.constant 1 : i32
      scf.for %scan3A_43 = %scan3A_38 to %scan3A_40 step %scan3A_41  : i32 {
        %mul3A_44 = arith.constant 16 : i32
        %mul3A_45 = arith.muli %scan3A_43, %mul3A_44 : i32
        %add3A_46 = arith.constant 0 : i32
        %add3A_47 = arith.addi %add3A_46, %mul3A_45 : i32
        %broadcast_in_dim3A = arith.constant 0.000000e+00 : f32
        %broadcast_in_dim3A_48 = vector.broadcast %broadcast_in_dim3A : f32 to vector<16xf32>
        %swap3A = arith.index_cast %add3A_37 : i32 to index
        %swap3A_49 = arith.index_cast %add3A_47 : i32 to index
        %swap3A_50 = tpu.vector_load %arg7[%swap3A, %swap3A_49] {strides = array<i32>} : memref<128x128xf32, #tpu.memory_space<vmem>>, vector<1x16xf32>,
        %swap3A_51 = vector.shape_cast %swap3A_50 : vector<1x16xf32> to vector<16xf32>
        %swap3A_52 = vector.shape_cast %broadcast_in_dim3A_48 : vector<16xf32> to vector<1x16xf32>
        tpu.vector_store %arg7[%swap3A, %swap3A_49], %swap3A_52 {strides = array<i32>} : memref<128x128xf32, #tpu.memory_space<vmem>>, vector<1x16xf32>,
      }
      %scan3A_42 = arith.constant 8 : i32
    }
    %scan3A_6 = arith.constant 128 : i32
    %mul3A_7 = arith.constant 632 : i32
    %mul3A_8 = arith.muli %arg1, %mul3A_7 : i32
    %scan3A_9 = arith.constant 0 : i32
    %scan3A_10 = arith.constant 4 : i32
    %scan3A_11 = arith.addi %scan3A_9, %scan3A_10 : i32
    %scan3A_12 = arith.constant 1 : i32
    scf.for %scan3A_33 = %scan3A_9 to %scan3A_11 step %scan3A_12  : i32 {
      %mul3A_34 = arith.constant 1 : i32
      %mul3A_35 = arith.muli %scan3A_33, %mul3A_34 : i32
      %add3A_36 = arith.constant 0 : i32
      %add3A_37 = arith.addi %add3A_36, %mul3A_35 : i32
      %mul3A_38 = arith.constant 128 : i32
      %mul3A_39 = arith.muli %add3A_37, %mul3A_38 : i32
      %add3A_40 = arith.addi %mul3A_8, %mul3A_39 : i32
      "tpu.region"() ({
        %run_scoped3A = tpu.sem_alloc : memref<!tpu.dma_semaphore, #tpu.memory_space<semaphore_mem>>
        %dma_start3A_41 = arith.constant 0 : i32
        %dma_start3A_42 = tpu.memref_slice %arg9[%add3A_40, %dma_start3A_41] : memref<10112x128xf32, #tpu.memory_space<vmem_shared>> -> memref<128x128xf32, #tpu.memory_space<vmem_shared>>
        %dma_start3A_43 = arith.constant 0 : i32
        %dma_start3A_44 = tpu.memref_slice %arg9[%add3A_40, %dma_start3A_43] : memref<10112x128xf32, #tpu.memory_space<vmem_shared>> -> memref<128x128xf32, #tpu.memory_space<vmem_shared>>
        tpu.enqueue_dma source(%arg7 : memref<128x128xf32, #tpu.memory_space<vmem>>) target(%dma_start3A_44 : memref<128x128xf32, #tpu.memory_space<vmem_shared>>) target_semaphore(%run_scoped3A : memref<!tpu.dma_semaphore, #tpu.memory_space<semaphore_mem>>)
        %dma_wait3A = arith.constant 0 : i32
        %dma_wait3A_45 = tpu.memref_slice %arg9[%add3A_40, %dma_wait3A] : memref<10112x128xf32, #tpu.memory_space<vmem_shared>> -> memref<128x128xf32, #tpu.memory_space<vmem_shared>>
        %dma_wait3A_46 = arith.constant 0 : i32
        %dma_wait3A_47 = tpu.memref_slice %arg9[%add3A_40, %dma_wait3A_46] : memref<10112x128xf32, #tpu.memory_space<vmem_shared>> -> memref<128x128xf32, #tpu.memory_space<vmem_shared>>
        tpu.wait_dma2 semaphore(%run_scoped3A : memref<!tpu.dma_semaphore, #tpu.memory_space<semaphore_mem>>) src(%arg7 : memref<128x128xf32, #tpu.memory_space<vmem>>) dst(%dma_wait3A_47 : memref<128x128xf32, #tpu.memory_space<vmem_shared>>)
        tpu.yield
      }) : () -> ()
    }
    %scan3A_13 = arith.constant 4 : i32
    %add3A_14 = arith.constant 512 : i32
    %add3A_15 = arith.addi %mul3A_8, %add3A_14 : i32
    "tpu.region"() ({
      %run_scoped3A = tpu.sem_alloc : memref<!tpu.dma_semaphore, #tpu.memory_space<semaphore_mem>>
      %dma_start3A_33 = arith.constant 0 : i32
      %dma_start3A_34 = arith.constant 0 : i32
      %dma_start3A_35 = tpu.memref_slice %arg7[%dma_start3A_33, %dma_start3A_34] : memref<128x128xf32, #tpu.memory_space<vmem>> -> memref<120x128xf32, #tpu.memory_space<vmem>>
      %dma_start3A_36 = arith.constant 0 : i32
      %dma_start3A_37 = tpu.memref_slice %arg9[%add3A_15, %dma_start3A_36] : memref<10112x128xf32, #tpu.memory_space<vmem_shared>> -> memref<120x128xf32, #tpu.memory_space<vmem_shared>>
      %dma_start3A_38 = arith.constant 0 : i32
      %dma_start3A_39 = tpu.memref_slice %arg9[%add3A_15, %dma_start3A_38] : memref<10112x128xf32, #tpu.memory_space<vmem_shared>> -> memref<120x128xf32, #tpu.memory_space<vmem_shared>>
      %dma_start3A_40 = arith.constant 0 : i32
      %dma_start3A_41 = arith.constant 0 : i32
      %dma_start3A_42 = tpu.memref_slice %arg7[%dma_start3A_40, %dma_start3A_41] : memref<128x128xf32, #tpu.memory_space<vmem>> -> memref<120x128xf32, #tpu.memory_space<vmem>>
      tpu.enqueue_dma source(%dma_start3A_42 : memref<120x128xf32, #tpu.memory_space<vmem>>) target(%dma_start3A_39 : memref<120x128xf32, #tpu.memory_space<vmem_shared>>) target_semaphore(%run_scoped3A : memref<!tpu.dma_semaphore, #tpu.memory_space<semaphore_mem>>)
      %dma_wait3A = arith.constant 0 : i32
      %dma_wait3A_43 = arith.constant 0 : i32
      %dma_wait3A_44 = tpu.memref_slice %arg7[%dma_wait3A, %dma_wait3A_43] : memref<128x128xf32, #tpu.memory_space<vmem>> -> memref<120x128xf32, #tpu.memory_space<vmem>>
      %dma_wait3A_45 = arith.constant 0 : i32
      %dma_wait3A_46 = tpu.memref_slice %arg9[%add3A_15, %dma_wait3A_45] : memref<10112x128xf32, #tpu.memory_space<vmem_shared>> -> memref<120x128xf32, #tpu.memory_space<vmem_shared>>
      %dma_wait3A_47 = arith.constant 0 : i32
      %dma_wait3A_48 = tpu.memref_slice %arg9[%add3A_15, %dma_wait3A_47] : memref<10112x128xf32, #tpu.memory_space<vmem_shared>> -> memref<120x128xf32, #tpu.memory_space<vmem_shared>>
      %dma_wait3A_49 = arith.constant 0 : i32
      %dma_wait3A_50 = arith.constant 0 : i32
      %dma_wait3A_51 = tpu.memref_slice %arg7[%dma_wait3A_49, %dma_wait3A_50] : memref<128x128xf32, #tpu.memory_space<vmem>> -> memref<120x128xf32, #tpu.memory_space<vmem>>
      tpu.wait_dma2 semaphore(%run_scoped3A : memref<!tpu.dma_semaphore, #tpu.memory_space<semaphore_mem>>) src(%dma_wait3A_51 : memref<120x128xf32, #tpu.memory_space<vmem>>) dst(%dma_wait3A_48 : memref<120x128xf32, #tpu.memory_space<vmem_shared>>)
      tpu.yield
    }) : () -> ()
    %barrier3A = arith.constant 0 : index
    tpu.barrier barrier_id(%barrier3A)
    %add3A_16 = arith.constant 0 : i32
    %add3A_17 = arith.addi %mul3A_2, %add3A_16 : i32
    %dma_start3A = arith.constant 0 : i32
    %dma_start3A_18 = arith.constant 0 : i32
    %dma_start3A_19 = tpu.memref_slice %arg3[%add3A_17, %dma_start3A, %dma_start3A_18] : memref<10240x2x128xi32, #tpu.memory_space<hbm>> -> memref<2x2x128xi32, #tpu.memory_space<hbm>>
    %dma_start3A_20 = arith.constant 0 : i32
    %dma_start3A_21 = arith.constant 0 : i32
    %dma_start3A_22 = tpu.memref_slice %arg3[%add3A_17, %dma_start3A_20, %dma_start3A_21] : memref<10240x2x128xi32, #tpu.memory_space<hbm>> -> memref<2x2x128xi32, #tpu.memory_space<hbm>>
    tpu.enqueue_dma source(%dma_start3A_22 : memref<2x2x128xi32, #tpu.memory_space<hbm>>) target(%arg5 : memref<2x2x128xi32, #tpu.memory_space<vmem>>) target_semaphore(%arg10 : memref<!tpu.dma_semaphore, #tpu.memory_space<semaphore_mem>>)
    %scan3A_23 = arith.constant 0 : i32
    %scan3A_24 = arith.constant 80 : i32
    %scan3A_25 = arith.addi %scan3A_23, %scan3A_24 : i32
    %scan3A_26 = arith.constant 1 : i32
    scf.for %scan3A_33 = %scan3A_23 to %scan3A_25 step %scan3A_26  : i32 {
      %mul3A_34 = arith.constant 2 : i32
      %mul3A_35 = arith.muli %scan3A_33, %mul3A_34 : i32
      %add3A_36 = arith.constant 0 : i32
      %add3A_37 = arith.addi %add3A_36, %mul3A_35 : i32
      %add3A_38 = arith.constant 1 : i32
      %add3A_39 = arith.addi %add3A_37, %add3A_38 : i32
      %mul3A_40 = arith.constant 2 : i32
      %mul3A_41 = arith.muli %add3A_39, %mul3A_40 : i32
      %add3A_42 = arith.addi %mul3A_2, %mul3A_41 : i32
      %dma_start3A_43 = arith.constant 0 : i32
      %dma_start3A_44 = arith.constant 0 : i32
      %dma_start3A_45 = tpu.memref_slice %arg3[%add3A_42, %dma_start3A_43, %dma_start3A_44] : memref<10240x2x128xi32, #tpu.memory_space<hbm>> -> memref<2x2x128xi32, #tpu.memory_space<hbm>>
      %dma_start3A_46 = arith.constant 0 : i32
      %dma_start3A_47 = arith.constant 0 : i32
      %dma_start3A_48 = tpu.memref_slice %arg3[%add3A_42, %dma_start3A_46, %dma_start3A_47] : memref<10240x2x128xi32, #tpu.memory_space<hbm>> -> memref<2x2x128xi32, #tpu.memory_space<hbm>>
      tpu.enqueue_dma source(%dma_start3A_48 : memref<2x2x128xi32, #tpu.memory_space<hbm>>) target(%arg6 : memref<2x2x128xi32, #tpu.memory_space<vmem>>) target_semaphore(%arg11 : memref<!tpu.dma_semaphore, #tpu.memory_space<semaphore_mem>>)
      %mul3A_49 = arith.constant 2 : i32
      %mul3A_50 = arith.muli %add3A_37, %mul3A_49 : i32
      %add3A_51 = arith.addi %mul3A_2, %mul3A_50 : i32
      %dma_wait3A = arith.constant 0 : i32
      %dma_wait3A_52 = arith.constant 0 : i32
      %dma_wait3A_53 = tpu.memref_slice %arg3[%add3A_51, %dma_wait3A, %dma_wait3A_52] : memref<10240x2x128xi32, #tpu.memory_space<hbm>> -> memref<2x2x128xi32, #tpu.memory_space<hbm>>
      %dma_wait3A_54 = arith.constant 0 : i32
      %dma_wait3A_55 = arith.constant 0 : i32
      %dma_wait3A_56 = tpu.memref_slice %arg3[%add3A_51, %dma_wait3A_54, %dma_wait3A_55] : memref<10240x2x128xi32, #tpu.memory_space<hbm>> -> memref<2x2x128xi32, #tpu.memory_space<hbm>>
      tpu.wait_dma2 semaphore(%arg10 : memref<!tpu.dma_semaphore, #tpu.memory_space<semaphore_mem>>) src(%dma_wait3A_56 : memref<2x2x128xi32, #tpu.memory_space<hbm>>) dst(%arg5 : memref<2x2x128xi32, #tpu.memory_space<vmem>>)
      %dma_start3A_57 = arith.constant 0 : i32
      %dma_start3A_58 = arith.constant 0 : i32
      %dma_start3A_59 = arith.constant 0 : i32
      %dma_start3A_60 = tpu.memref_slice %arg5[%dma_start3A_57, %dma_start3A_58, %dma_start3A_59] : memref<2x2x128xi32, #tpu.memory_space<vmem>> -> memref<1x1x128xi32, #tpu.memory_space<vmem>>
      %dma_start3A_61 = tpu.memref_squeeze %dma_start3A_60 : memref<1x1x128xi32, #tpu.memory_space<vmem>> -> memref<128xi32, #tpu.memory_space<vmem>>
      %dma_start3A_62 = arith.constant 0 : i32
      %dma_start3A_63 = arith.constant 0 : i32
      %dma_start3A_64 = tpu.memref_slice %arg2[%dma_start3A_62, %dma_start3A_63] : memref<40000x128xf32, #tpu.memory_space<hbm>> -> memref<40000x128xf32, #tpu.memory_space<hbm>>
      tpu.enqueue_indirect_dma source(%dma_start3A_64 : memref<40000x128xf32, #tpu.memory_space<hbm>>) target(%arg7 : memref<128x128xf32, #tpu.memory_space<vmem>>) offsets(%dma_start3A_61 : memref<128xi32, #tpu.memory_space<vmem>>) semaphore(%arg12 : memref<!tpu.dma_semaphore, #tpu.memory_space<semaphore_mem>>)
      %dma_start3A_65 = arith.constant 1 : i32
      %dma_start3A_66 = arith.constant 0 : i32
      %dma_start3A_67 = arith.constant 0 : i32
      %dma_start3A_68 = tpu.memref_slice %arg5[%dma_start3A_65, %dma_start3A_66, %dma_start3A_67] : memref<2x2x128xi32, #tpu.memory_space<vmem>> -> memref<1x1x128xi32, #tpu.memory_space<vmem>>
      %dma_start3A_69 = tpu.memref_squeeze %dma_start3A_68 : memref<1x1x128xi32, #tpu.memory_space<vmem>> -> memref<128xi32, #tpu.memory_space<vmem>>
      %dma_start3A_70 = arith.constant 0 : i32
      %dma_start3A_71 = arith.constant 0 : i32
      %dma_start3A_72 = tpu.memref_slice %arg2[%dma_start3A_70, %dma_start3A_71] : memref<40000x128xf32, #tpu.memory_space<hbm>> -> memref<40000x128xf32, #tpu.memory_space<hbm>>
      tpu.enqueue_indirect_dma source(%dma_start3A_72 : memref<40000x128xf32, #tpu.memory_space<hbm>>) target(%arg8 : memref<128x128xf32, #tpu.memory_space<vmem>>) offsets(%dma_start3A_69 : memref<128xi32, #tpu.memory_space<vmem>>) semaphore(%arg13 : memref<!tpu.dma_semaphore, #tpu.memory_space<semaphore_mem>>)
      %dma_wait3A_73 = arith.constant 0 : i32
      %dma_wait3A_74 = arith.constant 0 : i32
      %dma_wait3A_75 = arith.constant 0 : i32
      %dma_wait3A_76 = tpu.memref_slice %arg5[%dma_wait3A_73, %dma_wait3A_74, %dma_wait3A_75] : memref<2x2x128xi32, #tpu.memory_space<vmem>> -> memref<1x1x128xi32, #tpu.memory_space<vmem>>
      %dma_wait3A_77 = tpu.memref_squeeze %dma_wait3A_76 : memref<1x1x128xi32, #tpu.memory_space<vmem>> -> memref<128xi32, #tpu.memory_space<vmem>>
      %dma_wait3A_78 = arith.constant 0 : i32
      %dma_wait3A_79 = arith.constant 0 : i32
      %dma_wait3A_80 = tpu.memref_slice %arg2[%dma_wait3A_78, %dma_wait3A_79] : memref<40000x128xf32, #tpu.memory_space<hbm>> -> memref<40000x128xf32, #tpu.memory_space<hbm>>
      tpu.wait_indirect_dma semaphore(%arg12 : memref<!tpu.dma_semaphore, #tpu.memory_space<semaphore_mem>>) src(%dma_wait3A_80 : memref<40000x128xf32, #tpu.memory_space<hbm>>) dst(%arg7 : memref<128x128xf32, #tpu.memory_space<vmem>>)
      %dma_start3A_81 = arith.constant 0 : i32
      %dma_start3A_82 = arith.constant 1 : i32
      %dma_start3A_83 = arith.constant 0 : i32
      %dma_start3A_84 = tpu.memref_slice %arg5[%dma_start3A_81, %dma_start3A_82, %dma_start3A_83] : memref<2x2x128xi32, #tpu.memory_space<vmem>> -> memref<1x1x128xi32, #tpu.memory_space<vmem>>
      %dma_start3A_85 = tpu.memref_squeeze %dma_start3A_84 : memref<1x1x128xi32, #tpu.memory_space<vmem>> -> memref<128xi32, #tpu.memory_space<vmem>>
      %dma_start3A_86 = arith.constant 0 : i32
      %dma_start3A_87 = arith.constant 0 : i32
      %dma_start3A_88 = tpu.memref_slice %arg9[%dma_start3A_86, %dma_start3A_87] : memref<10112x128xf32, #tpu.memory_space<vmem_shared>> -> memref<10112x128xf32, #tpu.memory_space<vmem_shared>>
      tpu.enqueue_indirect_dma source(%arg7 : memref<128x128xf32, #tpu.memory_space<vmem>>) target(%dma_start3A_88 : memref<10112x128xf32, #tpu.memory_space<vmem_shared>>) offsets(%dma_start3A_85 : memref<128xi32, #tpu.memory_space<vmem>>) semaphore(%arg14 : memref<!tpu.dma_semaphore, #tpu.memory_space<semaphore_mem>>) {add = true}
      %dma_wait3A_89 = arith.constant 1 : i32
      %dma_wait3A_90 = arith.constant 0 : i32
      %dma_wait3A_91 = arith.constant 0 : i32
      %dma_wait3A_92 = tpu.memref_slice %arg5[%dma_wait3A_89, %dma_wait3A_90, %dma_wait3A_91] : memref<2x2x128xi32, #tpu.memory_space<vmem>> -> memref<1x1x128xi32, #tpu.memory_space<vmem>>
      %dma_wait3A_93 = tpu.memref_squeeze %dma_wait3A_92 : memref<1x1x128xi32, #tpu.memory_space<vmem>> -> memref<128xi32, #tpu.memory_space<vmem>>
      %dma_wait3A_94 = arith.constant 0 : i32
      %dma_wait3A_95 = arith.constant 0 : i32
      %dma_wait3A_96 = tpu.memref_slice %arg2[%dma_wait3A_94, %dma_wait3A_95] : memref<40000x128xf32, #tpu.memory_space<hbm>> -> memref<40000x128xf32, #tpu.memory_space<hbm>>
      tpu.wait_indirect_dma semaphore(%arg13 : memref<!tpu.dma_semaphore, #tpu.memory_space<semaphore_mem>>) src(%dma_wait3A_96 : memref<40000x128xf32, #tpu.memory_space<hbm>>) dst(%arg8 : memref<128x128xf32, #tpu.memory_space<vmem>>)
      %dma_start3A_97 = arith.constant 1 : i32
      %dma_start3A_98 = arith.constant 1 : i32
      %dma_start3A_99 = arith.constant 0 : i32
      %dma_start3A_100 = tpu.memref_slice %arg5[%dma_start3A_97, %dma_start3A_98, %dma_start3A_99] : memref<2x2x128xi32, #tpu.memory_space<vmem>> -> memref<1x1x128xi32, #tpu.memory_space<vmem>>
      %dma_start3A_101 = tpu.memref_squeeze %dma_start3A_100 : memref<1x1x128xi32, #tpu.memory_space<vmem>> -> memref<128xi32, #tpu.memory_space<vmem>>
      %dma_start3A_102 = arith.constant 0 : i32
      %dma_start3A_103 = arith.constant 0 : i32
      %dma_start3A_104 = tpu.memref_slice %arg9[%dma_start3A_102, %dma_start3A_103] : memref<10112x128xf32, #tpu.memory_space<vmem_shared>> -> memref<10112x128xf32, #tpu.memory_space<vmem_shared>>
      tpu.enqueue_indirect_dma source(%arg8 : memref<128x128xf32, #tpu.memory_space<vmem>>) target(%dma_start3A_104 : memref<10112x128xf32, #tpu.memory_space<vmem_shared>>) offsets(%dma_start3A_101 : memref<128xi32, #tpu.memory_space<vmem>>) semaphore(%arg15 : memref<!tpu.dma_semaphore, #tpu.memory_space<semaphore_mem>>) {add = true}
      %add3A_105 = arith.constant 2 : i32
      %add3A_106 = arith.addi %add3A_37, %add3A_105 : i32
      %lt3A = arith.constant 160 : i32
      %lt3A_107 = arith.cmpi slt, %add3A_106, %lt3A : i32
      %convert_element_type3A = arith.extui %lt3A_107 : i1 to i32
      %cond3A = arith.constant 0 : i32
      %cond3A_108 = arith.cmpi ne, %convert_element_type3A, %cond3A : i32
      scf.if %cond3A_108 {
        %add3A_200 = arith.constant 2 : i32
        %add3A_201 = arith.addi %add3A_37, %add3A_200 : i32
        %mul3A_202 = arith.constant 2 : i32
        %mul3A_203 = arith.muli %add3A_201, %mul3A_202 : i32
        %add3A_204 = arith.addi %mul3A_2, %mul3A_203 : i32
        %dma_start3A_205 = arith.constant 0 : i32
        %dma_start3A_206 = arith.constant 0 : i32
        %dma_start3A_207 = tpu.memref_slice %arg3[%add3A_204, %dma_start3A_205, %dma_start3A_206] : memref<10240x2x128xi32, #tpu.memory_space<hbm>> -> memref<2x2x128xi32, #tpu.memory_space<hbm>>
        %dma_start3A_208 = arith.constant 0 : i32
        %dma_start3A_209 = arith.constant 0 : i32
        %dma_start3A_210 = tpu.memref_slice %arg3[%add3A_204, %dma_start3A_208, %dma_start3A_209] : memref<10240x2x128xi32, #tpu.memory_space<hbm>> -> memref<2x2x128xi32, #tpu.memory_space<hbm>>
        tpu.enqueue_dma source(%dma_start3A_210 : memref<2x2x128xi32, #tpu.memory_space<hbm>>) target(%arg5 : memref<2x2x128xi32, #tpu.memory_space<vmem>>) target_semaphore(%arg10 : memref<!tpu.dma_semaphore, #tpu.memory_space<semaphore_mem>>)
      } else {
      }
      %add3A_109 = arith.constant 1 : i32
      %add3A_110 = arith.addi %add3A_37, %add3A_109 : i32
      %mul3A_111 = arith.constant 2 : i32
      %mul3A_112 = arith.muli %add3A_110, %mul3A_111 : i32
      %add3A_113 = arith.addi %mul3A_2, %mul3A_112 : i32
      %dma_wait3A_114 = arith.constant 0 : i32
      %dma_wait3A_115 = arith.constant 0 : i32
      %dma_wait3A_116 = tpu.memref_slice %arg3[%add3A_113, %dma_wait3A_114, %dma_wait3A_115] : memref<10240x2x128xi32, #tpu.memory_space<hbm>> -> memref<2x2x128xi32, #tpu.memory_space<hbm>>
      %dma_wait3A_117 = arith.constant 0 : i32
      %dma_wait3A_118 = arith.constant 0 : i32
      %dma_wait3A_119 = tpu.memref_slice %arg3[%add3A_113, %dma_wait3A_117, %dma_wait3A_118] : memref<10240x2x128xi32, #tpu.memory_space<hbm>> -> memref<2x2x128xi32, #tpu.memory_space<hbm>>
      tpu.wait_dma2 semaphore(%arg11 : memref<!tpu.dma_semaphore, #tpu.memory_space<semaphore_mem>>) src(%dma_wait3A_119 : memref<2x2x128xi32, #tpu.memory_space<hbm>>) dst(%arg6 : memref<2x2x128xi32, #tpu.memory_space<vmem>>)
      %dma_wait3A_120 = arith.constant 0 : i32
      %dma_wait3A_121 = arith.constant 1 : i32
      %dma_wait3A_122 = arith.constant 0 : i32
      %dma_wait3A_123 = tpu.memref_slice %arg5[%dma_wait3A_120, %dma_wait3A_121, %dma_wait3A_122] : memref<2x2x128xi32, #tpu.memory_space<vmem>> -> memref<1x1x128xi32, #tpu.memory_space<vmem>>
      %dma_wait3A_124 = tpu.memref_squeeze %dma_wait3A_123 : memref<1x1x128xi32, #tpu.memory_space<vmem>> -> memref<128xi32, #tpu.memory_space<vmem>>
      %dma_wait3A_125 = arith.constant 0 : i32
      %dma_wait3A_126 = arith.constant 0 : i32
      %dma_wait3A_127 = tpu.memref_slice %arg9[%dma_wait3A_125, %dma_wait3A_126] : memref<10112x128xf32, #tpu.memory_space<vmem_shared>> -> memref<10112x128xf32, #tpu.memory_space<vmem_shared>>
      tpu.wait_indirect_dma semaphore(%arg14 : memref<!tpu.dma_semaphore, #tpu.memory_space<semaphore_mem>>) src(%arg7 : memref<128x128xf32, #tpu.memory_space<vmem>>) dst(%dma_wait3A_127 : memref<10112x128xf32, #tpu.memory_space<vmem_shared>>)
      %dma_start3A_128 = arith.constant 0 : i32
      %dma_start3A_129 = arith.constant 0 : i32
      %dma_start3A_130 = arith.constant 0 : i32
      %dma_start3A_131 = tpu.memref_slice %arg6[%dma_start3A_128, %dma_start3A_129, %dma_start3A_130] : memref<2x2x128xi32, #tpu.memory_space<vmem>> -> memref<1x1x128xi32, #tpu.memory_space<vmem>>
      %dma_start3A_132 = tpu.memref_squeeze %dma_start3A_131 : memref<1x1x128xi32, #tpu.memory_space<vmem>> -> memref<128xi32, #tpu.memory_space<vmem>>
      %dma_start3A_133 = arith.constant 0 : i32
      %dma_start3A_134 = arith.constant 0 : i32
      %dma_start3A_135 = tpu.memref_slice %arg2[%dma_start3A_133, %dma_start3A_134] : memref<40000x128xf32, #tpu.memory_space<hbm>> -> memref<40000x128xf32, #tpu.memory_space<hbm>>
      tpu.enqueue_indirect_dma source(%dma_start3A_135 : memref<40000x128xf32, #tpu.memory_space<hbm>>) target(%arg7 : memref<128x128xf32, #tpu.memory_space<vmem>>) offsets(%dma_start3A_132 : memref<128xi32, #tpu.memory_space<vmem>>) semaphore(%arg12 : memref<!tpu.dma_semaphore, #tpu.memory_space<semaphore_mem>>)
      %dma_wait3A_136 = arith.constant 1 : i32
      %dma_wait3A_137 = arith.constant 1 : i32
      %dma_wait3A_138 = arith.constant 0 : i32
      %dma_wait3A_139 = tpu.memref_slice %arg5[%dma_wait3A_136, %dma_wait3A_137, %dma_wait3A_138] : memref<2x2x128xi32, #tpu.memory_space<vmem>> -> memref<1x1x128xi32, #tpu.memory_space<vmem>>
      %dma_wait3A_140 = tpu.memref_squeeze %dma_wait3A_139 : memref<1x1x128xi32, #tpu.memory_space<vmem>> -> memref<128xi32, #tpu.memory_space<vmem>>
      %dma_wait3A_141 = arith.constant 0 : i32
      %dma_wait3A_142 = arith.constant 0 : i32
      %dma_wait3A_143 = tpu.memref_slice %arg9[%dma_wait3A_141, %dma_wait3A_142] : memref<10112x128xf32, #tpu.memory_space<vmem_shared>> -> memref<10112x128xf32, #tpu.memory_space<vmem_shared>>
      tpu.wait_indirect_dma semaphore(%arg15 : memref<!tpu.dma_semaphore, #tpu.memory_space<semaphore_mem>>) src(%arg8 : memref<128x128xf32, #tpu.memory_space<vmem>>) dst(%dma_wait3A_143 : memref<10112x128xf32, #tpu.memory_space<vmem_shared>>)
      %dma_start3A_144 = arith.constant 1 : i32
      %dma_start3A_145 = arith.constant 0 : i32
      %dma_start3A_146 = arith.constant 0 : i32
      %dma_start3A_147 = tpu.memref_slice %arg6[%dma_start3A_144, %dma_start3A_145, %dma_start3A_146] : memref<2x2x128xi32, #tpu.memory_space<vmem>> -> memref<1x1x128xi32, #tpu.memory_space<vmem>>
      %dma_start3A_148 = tpu.memref_squeeze %dma_start3A_147 : memref<1x1x128xi32, #tpu.memory_space<vmem>> -> memref<128xi32, #tpu.memory_space<vmem>>
      %dma_start3A_149 = arith.constant 0 : i32
      %dma_start3A_150 = arith.constant 0 : i32
      %dma_start3A_151 = tpu.memref_slice %arg2[%dma_start3A_149, %dma_start3A_150] : memref<40000x128xf32, #tpu.memory_space<hbm>> -> memref<40000x128xf32, #tpu.memory_space<hbm>>
      tpu.enqueue_indirect_dma source(%dma_start3A_151 : memref<40000x128xf32, #tpu.memory_space<hbm>>) target(%arg8 : memref<128x128xf32, #tpu.memory_space<vmem>>) offsets(%dma_start3A_148 : memref<128xi32, #tpu.memory_space<vmem>>) semaphore(%arg13 : memref<!tpu.dma_semaphore, #tpu.memory_space<semaphore_mem>>)
      %dma_wait3A_152 = arith.constant 0 : i32
      %dma_wait3A_153 = arith.constant 0 : i32
      %dma_wait3A_154 = arith.constant 0 : i32
      %dma_wait3A_155 = tpu.memref_slice %arg6[%dma_wait3A_152, %dma_wait3A_153, %dma_wait3A_154] : memref<2x2x128xi32, #tpu.memory_space<vmem>> -> memref<1x1x128xi32, #tpu.memory_space<vmem>>
      %dma_wait3A_156 = tpu.memref_squeeze %dma_wait3A_155 : memref<1x1x128xi32, #tpu.memory_space<vmem>> -> memref<128xi32, #tpu.memory_space<vmem>>
      %dma_wait3A_157 = arith.constant 0 : i32
      %dma_wait3A_158 = arith.constant 0 : i32
      %dma_wait3A_159 = tpu.memref_slice %arg2[%dma_wait3A_157, %dma_wait3A_158] : memref<40000x128xf32, #tpu.memory_space<hbm>> -> memref<40000x128xf32, #tpu.memory_space<hbm>>
      tpu.wait_indirect_dma semaphore(%arg12 : memref<!tpu.dma_semaphore, #tpu.memory_space<semaphore_mem>>) src(%dma_wait3A_159 : memref<40000x128xf32, #tpu.memory_space<hbm>>) dst(%arg7 : memref<128x128xf32, #tpu.memory_space<vmem>>)
      %dma_start3A_160 = arith.constant 0 : i32
      %dma_start3A_161 = arith.constant 1 : i32
      %dma_start3A_162 = arith.constant 0 : i32
      %dma_start3A_163 = tpu.memref_slice %arg6[%dma_start3A_160, %dma_start3A_161, %dma_start3A_162] : memref<2x2x128xi32, #tpu.memory_space<vmem>> -> memref<1x1x128xi32, #tpu.memory_space<vmem>>
      %dma_start3A_164 = tpu.memref_squeeze %dma_start3A_163 : memref<1x1x128xi32, #tpu.memory_space<vmem>> -> memref<128xi32, #tpu.memory_space<vmem>>
      %dma_start3A_165 = arith.constant 0 : i32
      %dma_start3A_166 = arith.constant 0 : i32
      %dma_start3A_167 = tpu.memref_slice %arg9[%dma_start3A_165, %dma_start3A_166] : memref<10112x128xf32, #tpu.memory_space<vmem_shared>> -> memref<10112x128xf32, #tpu.memory_space<vmem_shared>>
      tpu.enqueue_indirect_dma source(%arg7 : memref<128x128xf32, #tpu.memory_space<vmem>>) target(%dma_start3A_167 : memref<10112x128xf32, #tpu.memory_space<vmem_shared>>) offsets(%dma_start3A_164 : memref<128xi32, #tpu.memory_space<vmem>>) semaphore(%arg14 : memref<!tpu.dma_semaphore, #tpu.memory_space<semaphore_mem>>) {add = true}
      %dma_wait3A_168 = arith.constant 1 : i32
      %dma_wait3A_169 = arith.constant 0 : i32
      %dma_wait3A_170 = arith.constant 0 : i32
      %dma_wait3A_171 = tpu.memref_slice %arg6[%dma_wait3A_168, %dma_wait3A_169, %dma_wait3A_170] : memref<2x2x128xi32, #tpu.memory_space<vmem>> -> memref<1x1x128xi32, #tpu.memory_space<vmem>>
      %dma_wait3A_172 = tpu.memref_squeeze %dma_wait3A_171 : memref<1x1x128xi32, #tpu.memory_space<vmem>> -> memref<128xi32, #tpu.memory_space<vmem>>
      %dma_wait3A_173 = arith.constant 0 : i32
      %dma_wait3A_174 = arith.constant 0 : i32
      %dma_wait3A_175 = tpu.memref_slice %arg2[%dma_wait3A_173, %dma_wait3A_174] : memref<40000x128xf32, #tpu.memory_space<hbm>> -> memref<40000x128xf32, #tpu.memory_space<hbm>>
      tpu.wait_indirect_dma semaphore(%arg13 : memref<!tpu.dma_semaphore, #tpu.memory_space<semaphore_mem>>) src(%dma_wait3A_175 : memref<40000x128xf32, #tpu.memory_space<hbm>>) dst(%arg8 : memref<128x128xf32, #tpu.memory_space<vmem>>)
      %dma_start3A_176 = arith.constant 1 : i32
      %dma_start3A_177 = arith.constant 1 : i32
      %dma_start3A_178 = arith.constant 0 : i32
      %dma_start3A_179 = tpu.memref_slice %arg6[%dma_start3A_176, %dma_start3A_177, %dma_start3A_178] : memref<2x2x128xi32, #tpu.memory_space<vmem>> -> memref<1x1x128xi32, #tpu.memory_space<vmem>>
      %dma_start3A_180 = tpu.memref_squeeze %dma_start3A_179 : memref<1x1x128xi32, #tpu.memory_space<vmem>> -> memref<128xi32, #tpu.memory_space<vmem>>
      %dma_start3A_181 = arith.constant 0 : i32
      %dma_start3A_182 = arith.constant 0 : i32
      %dma_start3A_183 = tpu.memref_slice %arg9[%dma_start3A_181, %dma_start3A_182] : memref<10112x128xf32, #tpu.memory_space<vmem_shared>> -> memref<10112x128xf32, #tpu.memory_space<vmem_shared>>
      tpu.enqueue_indirect_dma source(%arg8 : memref<128x128xf32, #tpu.memory_space<vmem>>) target(%dma_start3A_183 : memref<10112x128xf32, #tpu.memory_space<vmem_shared>>) offsets(%dma_start3A_180 : memref<128xi32, #tpu.memory_space<vmem>>) semaphore(%arg15 : memref<!tpu.dma_semaphore, #tpu.memory_space<semaphore_mem>>) {add = true}
      %dma_wait3A_184 = arith.constant 0 : i32
      %dma_wait3A_185 = arith.constant 1 : i32
      %dma_wait3A_186 = arith.constant 0 : i32
      %dma_wait3A_187 = tpu.memref_slice %arg6[%dma_wait3A_184, %dma_wait3A_185, %dma_wait3A_186] : memref<2x2x128xi32, #tpu.memory_space<vmem>> -> memref<1x1x128xi32, #tpu.memory_space<vmem>>
      %dma_wait3A_188 = tpu.memref_squeeze %dma_wait3A_187 : memref<1x1x128xi32, #tpu.memory_space<vmem>> -> memref<128xi32, #tpu.memory_space<vmem>>
      %dma_wait3A_189 = arith.constant 0 : i32
      %dma_wait3A_190 = arith.constant 0 : i32
      %dma_wait3A_191 = tpu.memref_slice %arg9[%dma_wait3A_189, %dma_wait3A_190] : memref<10112x128xf32, #tpu.memory_space<vmem_shared>> -> memref<10112x128xf32, #tpu.memory_space<vmem_shared>>
      tpu.wait_indirect_dma semaphore(%arg14 : memref<!tpu.dma_semaphore, #tpu.memory_space<semaphore_mem>>) src(%arg7 : memref<128x128xf32, #tpu.memory_space<vmem>>) dst(%dma_wait3A_191 : memref<10112x128xf32, #tpu.memory_space<vmem_shared>>)
      %dma_wait3A_192 = arith.constant 1 : i32
      %dma_wait3A_193 = arith.constant 1 : i32
      %dma_wait3A_194 = arith.constant 0 : i32
      %dma_wait3A_195 = tpu.memref_slice %arg6[%dma_wait3A_192, %dma_wait3A_193, %dma_wait3A_194] : memref<2x2x128xi32, #tpu.memory_space<vmem>> -> memref<1x1x128xi32, #tpu.memory_space<vmem>>
      %dma_wait3A_196 = tpu.memref_squeeze %dma_wait3A_195 : memref<1x1x128xi32, #tpu.memory_space<vmem>> -> memref<128xi32, #tpu.memory_space<vmem>>
      %dma_wait3A_197 = arith.constant 0 : i32
      %dma_wait3A_198 = arith.constant 0 : i32
      %dma_wait3A_199 = tpu.memref_slice %arg9[%dma_wait3A_197, %dma_wait3A_198] : memref<10112x128xf32, #tpu.memory_space<vmem_shared>> -> memref<10112x128xf32, #tpu.memory_space<vmem_shared>>
      tpu.wait_indirect_dma semaphore(%arg15 : memref<!tpu.dma_semaphore, #tpu.memory_space<semaphore_mem>>) src(%arg8 : memref<128x128xf32, #tpu.memory_space<vmem>>) dst(%dma_wait3A_199 : memref<10112x128xf32, #tpu.memory_space<vmem_shared>>)
    }
    %scan3A_27 = arith.constant 80 : i32
    %barrier3A_28 = arith.constant 0 : index
    tpu.barrier barrier_id(%barrier3A_28)
    %mul3A_29 = arith.constant 632 : i32
    %mul3A_30 = arith.muli %arg1, %mul3A_29 : i32
    %mul3A_31 = arith.constant 632 : i32
    %mul3A_32 = arith.muli %arg1, %mul3A_31 : i32
    "tpu.region"() ({
      %run_scoped3A = tpu.sem_alloc : memref<!tpu.dma_semaphore, #tpu.memory_space<semaphore_mem>>
      %dma_start3A_33 = arith.constant 0 : i32
      %dma_start3A_34 = tpu.memref_slice %arg4[%arg0, %mul3A_32, %dma_start3A_33] : memref<2x10112x128xf32, #tpu.memory_space<hbm>> -> memref<1x632x128xf32, #tpu.memory_space<hbm>>
      %dma_start3A_35 = tpu.memref_squeeze %dma_start3A_34 : memref<1x632x128xf32, #tpu.memory_space<hbm>> -> memref<632x128xf32, #tpu.memory_space<hbm>>
      %dma_start3A_36 = arith.constant 0 : i32
      %dma_start3A_37 = tpu.memref_slice %arg9[%mul3A_30, %dma_start3A_36] : memref<10112x128xf32, #tpu.memory_space<vmem_shared>> -> memref<632x128xf32, #tpu.memory_space<vmem_shared>>
      tpu.enqueue_dma source(%dma_start3A_37 : memref<632x128xf32, #tpu.memory_space<vmem_shared>>) target(%dma_start3A_35 : memref<632x128xf32, #tpu.memory_space<hbm>>) target_semaphore(%run_scoped3A : memref<!tpu.dma_semaphore, #tpu.memory_space<semaphore_mem>>)
      %dma_wait3A = arith.constant 0 : i32
      %dma_wait3A_38 = tpu.memref_slice %arg4[%arg0, %mul3A_32, %dma_wait3A] : memref<2x10112x128xf32, #tpu.memory_space<hbm>> -> memref<1x632x128xf32, #tpu.memory_space<hbm>>
      %dma_wait3A_39 = tpu.memref_squeeze %dma_wait3A_38 : memref<1x632x128xf32, #tpu.memory_space<hbm>> -> memref<632x128xf32, #tpu.memory_space<hbm>>
      %dma_wait3A_40 = arith.constant 0 : i32
      %dma_wait3A_41 = tpu.memref_slice %arg9[%mul3A_30, %dma_wait3A_40] : memref<10112x128xf32, #tpu.memory_space<vmem_shared>> -> memref<632x128xf32, #tpu.memory_space<vmem_shared>>
      tpu.wait_dma2 semaphore(%run_scoped3A : memref<!tpu.dma_semaphore, #tpu.memory_space<semaphore_mem>>) src(%dma_wait3A_41 : memref<632x128xf32, #tpu.memory_space<vmem_shared>>) dst(%dma_wait3A_39 : memref<632x128xf32, #tpu.memory_space<hbm>>)
      tpu.yield
    }) : () -> ()
    return
  }
}

module attributes {stable_mosaic.version = 14 : i64} {
  func.func @_h_body(%arg0: i32, %arg1: i32, %arg2: memref<1000x128xf32, #tpu.memory_space<vmem>>, %arg3: memref<1x128x128xf32, #tpu.memory_space<vmem>>, %arg4: memref<1000x128xf32, #tpu.memory_space<vmem>>) attributes {dimension_semantics = [#tpu.dimension_semantics<arbitrary>, #tpu.dimension_semantics<arbitrary>], iteration_bounds = array<i64: 4, 10>, scalar_prefetch = 0 : i64, scratch_operands = 0 : i64, tpu.core_type = #tpu.core_type<tc>, window_params = [{transform_indices = @transform_0, window_bounds = array<i64: 1000, 128>}, {transform_indices = @transform_1, window_bounds = array<i64: 1, 128, 128>}, {transform_indices = @transform_2, window_bounds = array<i64: 1000, 128>}]} {
    %get3A = arith.constant 0 : index
    %get3A_0 = arith.constant 0 : index
    %get3A_1 = vector.load %arg2[%get3A, %get3A_0] : memref<1000x128xf32, #tpu.memory_space<vmem>>, vector<1000x128xf32>
    %get3A_2 = arith.constant 0 : index
    %get3A_3 = arith.constant 0 : index
    %get3A_4 = arith.constant 0 : index
    %get3A_5 = vector.load %arg3[%get3A_2, %get3A_3, %get3A_4] : memref<1x128x128xf32, #tpu.memory_space<vmem>>, vector<1x128x128xf32>
    %get3A_6 = vector.shape_cast %get3A_5 : vector<1x128x128xf32> to vector<128x128xf32>
    %dot_general3A = arith.constant dense<0.000000e+00> : vector<1000x128xf32>
    %dot_general3A_7 = tpu.matmul %get3A_1, %get3A_6, %dot_general3A {dimension_numbers = #tpu.dot_dimension_numbers<[1], [0], [0], [1], [0, 0, 1, 1], [], []>, transpose_lhs_hint = false} : vector<1000x128xf32>, vector<128x128xf32>, vector<1000x128xf32> -> vector<1000x128xf32>
    %swap3A = arith.constant 0 : index
    %swap3A_8 = arith.constant 0 : index
    %swap3A_9 = vector.load %arg4[%swap3A, %swap3A_8] : memref<1000x128xf32, #tpu.memory_space<vmem>>, vector<1000x128xf32>
    tpu.vector_store %arg4[%swap3A, %swap3A_8], %dot_general3A_7 {strides = array<i32>} : memref<1000x128xf32, #tpu.memory_space<vmem>>, vector<1000x128xf32>,
    return
  }
  func.func @transform_0(%arg0: i32, %arg1: i32) -> (i32, i32) {
    %c0_i32 = arith.constant 0 : i32
    %c0_i32_0 = arith.constant 0 : i32
    return %arg1, %c0_i32 : i32, i32
  }
  func.func @transform_1(%arg0: i32, %arg1: i32) -> (i32, i32, i32) {
    %c0_i32 = arith.constant 0 : i32
    %c0_i32_0 = arith.constant 0 : i32
    %c0_i32_1 = arith.constant 0 : i32
    return %arg0, %c0_i32, %c0_i32_0 : i32, i32, i32
  }
  func.func @transform_2(%arg0: i32, %arg1: i32) -> (i32, i32) {
    %mul3A = arith.constant 10 : i32
    %mul3A_0 = arith.muli %arg0, %mul3A : i32
    %add3A = arith.addi %mul3A_0, %arg1 : i32
    %c0_i32 = arith.constant 0 : i32
    %c0_i32_1 = arith.constant 0 : i32
    return %add3A, %c0_i32 : i32, i32
  }
}

module attributes {stable_mosaic.version = 14 : i64} {
  func.func @_combine_body(%arg0: memref<2x10112x128xf32, #tpu.memory_space<vmem>>, %arg1: memref<4x128xf32, #tpu.memory_space<vmem>>, %arg2: memref<10000x128xf32, #tpu.memory_space<vmem>>) attributes {dimension_semantics = [], scalar_prefetch = 0 : i64, scratch_operands = 0 : i64, tpu.core_type = #tpu.core_type<tc>} {
    %get3A = arith.constant 0 : index
    %get3A_0 = arith.constant 0 : index
    %get3A_1 = vector.load %arg1[%get3A, %get3A_0] : memref<4x128xf32, #tpu.memory_space<vmem>>, vector<4x128xf32>
    %reduce_sum3A = arith.constant dense<0.000000e+00> : vector<128xf32>
    %reduce_sum3A_2 = vector.multi_reduction <add>, %get3A_1, %reduce_sum3A [0] : vector<4x128xf32> to vector<128xf32>
    %broadcast_in_dim3A = vector.shape_cast %reduce_sum3A_2 : vector<128xf32> to vector<1x128xf32>
    %get3A_3 = arith.constant 0 : index
    %get3A_4 = arith.constant 0 : index
    %get3A_5 = arith.constant 0 : index
    %get3A_6 = vector.load %arg0[%get3A_3, %get3A_4, %get3A_5] : memref<2x10112x128xf32, #tpu.memory_space<vmem>>, vector<1x10000x128xf32>
    %get3A_7 = vector.shape_cast %get3A_6 : vector<1x10000x128xf32> to vector<10000x128xf32>
    %get3A_8 = arith.constant 1 : index
    %get3A_9 = arith.constant 0 : index
    %get3A_10 = arith.constant 0 : index
    %get3A_11 = vector.load %arg0[%get3A_8, %get3A_9, %get3A_10] : memref<2x10112x128xf32, #tpu.memory_space<vmem>>, vector<1x10000x128xf32>
    %get3A_12 = vector.shape_cast %get3A_11 : vector<1x10000x128xf32> to vector<10000x128xf32>
    %add3A = arith.addf %get3A_7, %get3A_12 : vector<10000x128xf32>
    %add3A_13 = vector.broadcast %broadcast_in_dim3A : vector<1x128xf32> to vector<10000x128xf32>
    %add3A_14 = arith.addf %add3A, %add3A_13 : vector<10000x128xf32>
    %swap3A = arith.constant 0 : index
    %swap3A_15 = arith.constant 0 : index
    %swap3A_16 = vector.load %arg2[%swap3A, %swap3A_15] : memref<10000x128xf32, #tpu.memory_space<vmem>>, vector<10000x128xf32>
    tpu.vector_store %arg2[%swap3A, %swap3A_15], %add3A_14 {strides = array<i32>} : memref<10000x128xf32, #tpu.memory_space<vmem>>, vector<10000x128xf32>,
    return
  }
}

</mosaic_0001>

<sc_bundles>
// kernel: kernel.5.cloned.1.call-start
scs
__scs_entry_jumppad:
0x0: {  	(pc) =	sbr.rel $0x88, $3  }
0x1: {  	(tag) =	ssettag $0x0;
	lr =	simm.s32 $0x1  }
0x2: {  	[smem:$0x3F9D] =	sst lr;
	_ =	strace $0xD0000000  }
0x3: {  	_ = 	snop  }
0x4: {  	_ = 	snop  }
0x5: {  	_ = 	snop  }
0x6: {  	_ = 	snop  }
0x7: {  	_ = 	snop  }
__scs_overlays_trampoline_lowered:
0x8: {  	[smem:$0x3FAC] =	sst s0  }
0x9: {  	[smem:$0x3FAD] =	sst s1  }
0xa: {  	[smem:$0x3FAE] =	sst s2  }
0xb: {  	[smem:$0x3FAF] =	sst s3  }
0xc: {  	[smem:$0x3FB0] =	sst s4  }
0xd: {  	[smem:$0x3FB1] =	sst s5  }
0xe: {  	[smem:$0x3FB2] =	sst s6  }
0xf: {  	[smem:$0x3FB3] =	sst s7  }
0x10: {  	[smem:$0x3FB4] =	sst s8  }
0x11: {  	[smem:$0x3FB5] =	sst s9;
	s0 =	simm.s32 @!p0 $0x0  }
0x12: {  	s1 =	sld [smem:$0x3F9B];
	s0 =	simm.s32 @p0 $0x1  }
0x13: {  	[smem:$0x3FB6] =	sst s0;
	s0 =	simm.s32 @!p1 $0x0  }
0x14: {  	s2 =	sld [smem:$0x3F9A];
	s0 =	simm.s32 @p1 $0x1  }
0x15: {  	[smem:$0x3FB7] =	sst s0;
	s0 =	simm.s32 @!p2 $0x0  }
0x16: {  	s3 =	sld [smem:$0x3FDB];
	s0 =	simm.s32 @p2 $0x1  }
0x17: {  	s4 =	simm.s32 $0x1BF5;
	[smem:$0x3FB9] =	sst s0  }
0x18: {  	s0 =	sld [smem:$0x3F9C];
	_ =	swait.ge [sflag:s4], $0x0  }
0x19: {  	s7 =	sld [smem:$0x3F9D]  }
0x1a: {  	s8 =	sadd.s32 $0xFFFFE003, lr  }
0x1b: {  	s9 =	sadd.s32 $0xFFFFFEF7, lr;
	s5 =	simm.s32 $0xFFFFFFFF;
	p2 =	slt.u32 s8, $0xFFFFF086  }
0x1c: {  	p1 =	slt.u32 s9, $0xF7A;
	s5 =	simm.s32 @!p2 $0x0  }
0x1d: {  	s5 =	simm.s32 @p1 $0x1;
	p0 =	seq.s32 s7, s2  }
0x1e: {  	s7 =	smul.u32 @!p0 $0xF7A, s2;
	p2 =	seq.s32 @!p0 s5, $0x0  }
0x1f: {  	s9 =	smul.u32 $0xF7A, s1;
	s8 =	simm.s32 @!p0 $0x1BF5;
	p2 =	por !p2, p0  }
0x20: {  	[sflag:s8] =	ssyncset.s32 @!p0 $0xFFFFF086;
	s6 =	sadd.s32 @!p0 s3, s7;
	s7 =	simm.s32 @!p0 $0x108  }
0x21: {  	s3 =	sadd.s32 s3, s9;
	s6 =	sadd.s32 @!p0 $0x88, s6;
	s7 =	simm.s32 @p2 $0x1082  }
0x22: {  	[simem:s7], [sflag:s8] =	dma.local @!p0 [hbm:s6], $0xF7A  }
0x23: {  	s9 =	sor.u32 $0xD0000000, s2;
	s6 =	simm.s32 $0x108;
	_ =	swait.ge @!p0 [sflag:s8], $0x0  }
0x24: {  	s3 =	sadd.s32 $0x88, s3;
	s6 =	simm.s32 @!p1 $0x1082;
	[sflag:s4] =	ssyncset.s32 $0xFFFFF086  }
0x25: {  	[simem:s6], [sflag:s4] =	dma.local [hbm:s3], $0xF7A  }
0x26: {  	[smem:$0x3F9D] =	sst s1;
	(tag) =	ssettag s2;
	_ =	strace s9  }
0x27: {  	s1 =	sld [smem:$0x3FAD]  }
0x28: {  	s2 =	sld [smem:$0x3FAE]  }
0x29: {  	s4 =	sld [smem:$0x3FB0]  }
0x2a: {  	p0 =	seq.s32 s5, $0x0;
	s5 =	sld [smem:$0x3FB1]  }
0x2b: {  	s6 =	sld [smem:$0x3FB2]  }
0x2c: {  	s7 =	sld [smem:$0x3FB3]  }
0x2d: {  	s3 =	simm.s32 $0x108;
	s8 =	sld [smem:$0x3FB4]  }
0x2e: {  	s3 =	simm.s32 @!p0 $0x1082;
	s9 =	sld [smem:$0x3FB5]  }
0x2f: {  	lr =	sadd.s32 s0, s3;
	s0 =	sld [smem:$0x3FAC]  }
0x30: {  	s3 =	sld [smem:$0x3FAF]  }
0x31: {  	[smem:$0x3FB8] =	sst s10  }
0x32: {  	s10 =	sld [smem:$0x3FB6];
	_ =	sdelay $0x3  }
0x33: {  	p0 =	seq.s32 s10, $0x1;
	s10 =	sld [smem:$0x3FB8];
	_ =	sdelay $0x3  }
0x34: {  	[smem:$0x3FB8] =	sst s10  }
0x35: {  	s10 =	sld [smem:$0x3FB7];
	_ =	sdelay $0x3  }
0x36: {  	p1 =	seq.s32 s10, $0x1;
	s10 =	sld [smem:$0x3FB8];
	_ =	sdelay $0x3  }
0x37: {  	[smem:$0x3FB8] =	sst s10  }
0x38: {  	s10 =	sld [smem:$0x3FB9]  }
0x39: {  	_ = 	snop;
	(pc) =	sbr.ind lr, $3  }
0x3a: {  	_ = 	snop  }
0x3b: {  	_ = 	snop  }
0x3c: {  	p2 =	seq.s32 s10, $0x1;
	s10 =	sld [smem:$0x3FB8]  }
0x3d: {  	_ =	shalt  }
0x3e: {  	_ =	shalt  }
0x3f: {  	_ =	shalt  }
0x40: {  	_ =	shalt  }
0x41: {  	_ =	shalt  }
0x42: {  	_ =	shalt  }
0x43: {  	_ =	shalt  }
0x44: {  	_ =	shalt  }
0x45: {  	_ =	shalt  }
0x46: {  	_ =	shalt  }
0x47: {  	_ =	shalt  }
0x48: {  	_ =	shalt  }
0x49: {  	_ =	shalt  }
0x4a: {  	_ =	shalt  }
0x4b: {  	_ =	shalt  }
0x4c: {  	_ =	shalt  }
0x4d: {  	_ =	shalt  }
0x4e: {  	_ =	shalt  }
0x4f: {  	_ =	shalt  }
0x50: {  	_ =	shalt  }
0x51: {  	_ =	shalt  }
0x52: {  	_ =	shalt  }
0x53: {  	_ =	shalt  }
0x54: {  	_ =	shalt  }
0x55: {  	_ =	shalt  }
0x56: {  	_ =	shalt  }
0x57: {  	_ =	shalt  }
0x58: {  	_ =	shalt  }
0x59: {  	_ =	shalt  }
0x5a: {  	_ =	shalt  }
0x5b: {  	_ =	shalt  }
0x5c: {  	_ =	shalt  }
0x5d: {  	_ =	shalt  }
0x5e: {  	_ =	shalt  }
0x5f: {  	_ =	shalt  }
0x60: {  	_ =	shalt  }
0x61: {  	_ =	shalt  }
0x62: {  	_ =	shalt  }
0x63: {  	_ =	shalt  }
0x64: {  	_ =	shalt  }
0x65: {  	_ =	shalt  }
0x66: {  	_ =	shalt  }
0x67: {  	_ =	shalt  }
0x68: {  	_ =	shalt  }
0x69: {  	_ =	shalt  }
0x6a: {  	_ =	shalt  }
0x6b: {  	_ =	shalt  }
0x6c: {  	_ =	shalt  }
0x6d: {  	_ =	shalt  }
0x6e: {  	_ =	shalt  }
0x6f: {  	_ =	shalt  }
0x70: {  	_ =	shalt  }
0x71: {  	_ =	shalt  }
0x72: {  	_ =	shalt  }
0x73: {  	_ =	shalt  }
0x74: {  	_ =	shalt  }
0x75: {  	_ =	shalt  }
0x76: {  	_ =	shalt  }
0x77: {  	_ =	shalt  }
0x78: {  	_ =	shalt  }
0x79: {  	_ =	shalt  }
0x7a: {  	_ =	shalt  }
0x7b: {  	_ =	shalt  }
0x7c: {  	_ =	shalt  }
0x7d: {  	_ =	shalt  }
0x7e: {  	_ =	shalt  }
0x7f: {  	_ =	shalt  }
0x80: {  	_ =	shalt  }
0x81: {  	_ =	shalt  }
0x82: {  	_ =	shalt  }
0x83: {  	_ =	shalt  }
0x84: {  	_ =	shalt  }
0x85: {  	_ =	shalt  }
0x86: {  	_ =	shalt  }
0x87: {  	_ =	shalt  }
.Lfunc_end0:
.L_simem_size_0:
called_computation_lowered:
.L_overlay_start_0:
0x88: {  	s2 =	sld [smem:$0x3FD9]  }
0x89: {  	s3 =	sld [smem:$0x3FFE];
	_ =	sdelay $0x1  }
0x8a: {  	s1 =	srdreg.scid  }
0x8b: {  	s0 =	sand.u32 $0x1, s1  }
0x8c: {  	s16 =	sshll.u32 s0, $0xA;
	s2 =	sadd.s32 s3, s2  }
0x8d: {  	s2 =	sadd.s32 s2, s16  }
0x8e: {  	[smem:$0x3FC4] =	sst s2  }
0x8f: {  	_ = 	snop  }
0x90: {  	(tm) =	ssettm $0x1  }
0x91: {  	s17 =	sld [smem:$0x3FFB];
	_ =	sdelay $0x3  }
0x92: {  	_ =	strace s17  }
0x93: {  	s2 =	sld [smem:$0x3FFC];
	_ =	sdelay $0x3  }
0x94: {  	_ =	strace s2  }
0x95: {  	s2 =	sld [smem:$0x3FFD];
	_ =	sdelay $0x3  }
0x96: {  	_ =	strace s2  }
0x97: {  	_ =	strace $0x8FFFFFFF  }
0x98: {  	s18 =	sld [smem:$0x3FDB];
	_ =	sdelay $0x1  }
0x99: {  	s19 =	simm.s32 $_scs_section_size  }
0x9a: {  	s4 =	simm.s32 $_size__tile_overlayer_lowered;
	s5 =	simm.s32 $_tile_overlayer_lowered  }
0x9b: {  	s22 =	simm.s32 $0x1BFF;
	s21 =	sshll.u32 s5, $0x1;
	s2 =	sadd.s32 s19, s18  }
0x9c: {  	s6 =	simm.s32 $0x0;
	s20 =	sshll.u32 s4, $0x1;
	s4 =	sadd.s32 s21, s2  }
0x9d: {  	[timem:s6], [sflag:s22] =	dma.local [hbm:s4], s20  }
0x9e: {  	_ =	swait.ge [sflag:s22], s20  }
0x9f: {  	s3 =	ssub.s32 $0x0, s20;
	[sflag:s22] =	ssyncset.done $0x0  }
0xa0: {  	[sflag:s22] =	ssyncadd.s32 s3;
	_ =	sdelay $0x1  }
0xa1: {  	s23 =	simm.s32 $0x1B8B  }
0xa2: {  	_ =	swait.ge [sflag:s23], $0x1  }
0xa3: {  	[sflag:s23] =	ssyncset.done $0x0  }
0xa4: {  	s25 =	simm.s32 $0x1B8E;
	s24 =	sld [smem:$0x3FFE];
	[sflag:s23] =	ssyncadd.s32 $0xFFFFFFFF  }
0xa5: {  	s26 =	simm.s32 $execute0_lowered;
	[smem:$0x3FD2] =	sst s25  }
0xa6: {  	s4 =	sshll.u32 s26, $0x1;
	_ =	strace $0x80000046;
	[dreg:$0x1] =	wrdreg $0xFFFFFFFF  }
0xa7: {  	s28 =	simm.s32 $_size_execute0_lowered;
	s2 =	sadd.s32 s2, s4;
	[dreg:$0x0] =	wrdreg $0x0  }
0xa8: {  	s4 =	sshll.u32 s28, $0x1;
	[dreg:$0x2] =	wrdreg s2  }
0xa9: {  	[dreg:$0x3] =	wrdreg s4  }
0xaa: {  	[dreg:$0x4] =	wrdreg $0xC0  }
0xab: {  	_ =	task [dreg:s6], $0x5FFFF  }
0xac: {  	[dreg:$0x1] =	wrdreg $0xFFFFFFFF  }
0xad: {  	[dreg:$0x0] =	wrdreg $0x60  }
0xae: {  	[dreg:$0x2] =	wrdreg s24  }
0xaf: {  	[dreg:$0x3] =	wrdreg $0x84000  }
0xb0: {  	[dreg:$0x4] =	wrdreg $0x9  }
0xb1: {  	_ =	task.clear_ibuf [dreg:s6], $0x5FFFF;
	_ =	strace $0x90000046  }
0xb2: {  	s29 =	simm.s32 $0x9;
	_ =	strace $0x80000048  }
0xb3: {  	_ =	swait.ge [sflag:s29], $0x1  }
0xb4: {  	[sflag:s29] =	ssyncadd.s32 $0xFFFFFFFF  }
0xb5: {  	_ =	strace $0x90000048  }
0xb6: {  	_ =	sfence  }
0xb7: {  	s30 =	sld [smem:$0x0];
	_ =	sdelay $0x2  }
0xb8: {  	s31 =	sshll.u32 s1, $0xD;
	s1 =	sshrl.u32 s1, $0x2  }
0xb9: {  	s3 =	sand.u32 $0x4000, s31;
	s1 =	sadd.s32 s1, s30  }
0xba: {  	s0 =	sor.u32 s3, s0;
	s1 =	sshll.u32 s1, $0x11  }
0xbb: {  	s0 =	sor.u32 s1, s0  }
0xbc: {  	s0 =	sadd.s32 $0x8F2B, s0  }
0xbd: {  	[sflag:s0] =	ssyncadd.remote.s32 $0x1  }
0xbe: {  	_ =	sfence.sel $0xFFFF  }
0xbf: {  	[dreg:$0x0] =	wrdreg $0xFFFFFFFF;
	(pc) =	sbr.abs _section_cstart, $3  }
0xc0: {  	[dreg:$0x1] =	wrdreg $0xFFFFFFFF  }
0xc1: {  	_ =	task.clear_ibuf [dreg:s6], $0x2FFFF;
	_ =	strace $0x9FFFFFFF  }
0xc2: {  	(tm) =	ssettm $0x7FFFFFFF  }
0xc3: {  	_ =	shalt  }
tec
execute0_lowered:
.L_overlay_start_1:
0x0: {  	(tag) =	ssettag $0x1  }
0x1: {  	s0 =	rddreg [dreg:$0x0];
	s1 =	srdreg.scid  }
0x2: {  	s2 =	rddreg [dreg:$0x1];
	s13 =	stileid.u32;
	s3 =	simm.s32 $0x0  }
0x3: {  	s16 =	simm.s32 $0x400;
	s17 =	simm.s32 $0x7;
	s6 =	smul.u32 $0x13C00, s13  }
0x4: {  	s28 =	simm.s32 $0x5;
	s29 =	simm.s32 $0x6;
	s7 =	smul.u32 $0x4F000, s13  }
0x5: {  	s30 =	simm.s32 $0x300;
	s31 =	simm.s32 $0x280;
	s12 =	smul.u32 $0x14000, s13  }
0x6: {  	s1 =	sand.u32 $0x1, s1;
	[smem:$0x7FF] =	sst s3;
	s25 =	smul.u32 $0x2800, s13  }
0x7: {  	s4 =	sadd.s32 $0x51600, s0;
	s8 =	sadd.s32 $0x1600, s0;
	s5 =	smul.u32 $0x13C000, s1  }
0x8: {  	_ =	strace $0x80000047;
	s18 =	sshll.u32 s1, $0x4;
	s11 =	smul.u32 $0x140000, s1  }
0x9: {  	s20 =	ssub.s32 $0x2, s1;
	s1 =	smul.u32 $0x28000, s1;
	s19 =	sor.u32 s13, s18  }
0xa: {  	s7 =	sshrl.u32 s7, $0x2;
	s10 =	sshrl.u32 s20, $0x1;
	s18 =	simm.s32 $0x200  }
0xb: {  	s5 =	sadd.s32 s6, s5;
	s9 =	smul.u32 $0x2800, s19;
	s6 =	ssub.s32 s20, s10  }
0xc: {  	s23 =	sadd.s32 s12, s11;
	s1 =	sadd.s32 s1, s8;
	s19 =	simm.s32 $0x1  }
0xd: {  	s20 =	simm.s32 $0x80;
	s5 =	sshrl.u32 s5, $0x3;
	s21 =	smax.u32 s6, $0x1  }
0xe: {  	s26 =	sadd.s32 s25, s1;
	s25 =	simm.s32 $0x180;
	s1 =	simm.s32 $0x0  }
0xf: {  	s0 =	sadd.s32 s5, s0;
	s5 =	sadd.s32 s7, s2;
	[dreg:$0x5] =	wrdreg s21  }
0x10: {  	s15 =	sadd.s32 $0x40, s26;
	s21 =	simm.s32 $0x100;
	s7 =	sadd.s32 $0x10000, s5  }
0x11: {  	s26 =	simm.s32 $0x2;
	s0 =	sadd.s32 $0xEDA00, s0;
	[dreg:$0x3] =	wrdreg s7  }
0x12: {  	s24 =	sadd.s32 $0x4000, s5;
	s12 =	sadd.s32 $0x8000, s5;
	[dreg:$0x4] =	wrdreg s0  }
0x13: {  	s13 =	sadd.s32 $0xC000, s5;
	s7 =	sadd.s32 s8, s9;
	[dreg:$0x7] =	wrdreg s24  }
0x14: {  	s0 =	sor.u32 $0x400, s23;
	s23 =	simm.s32 $0x3;
	s22 =	sadd.s32 $0x27C0, s7  }
0x15: {  	s24 =	simm.s32 $0x4;
	s0 =	sshrl.u32 s0, $0x3;
	[dreg:$0x6] =	wrdreg s22  }
0x16: {  	v0 =	vimm.f32 $0.0e+00;
	s14 =	sadd.s32 s0, s8;
	s22 =	simm.s32 $0x4400;
	s0 =	simm.s32 $0x380  }
.LBB2_1:
0x17: {  	s6 =	simm.s32 $0x0;
	s8 =	simm.s32 $0x200  }
.LBB2_2:
0x18: {  	p0 =	sne.s32 s8, $0xFE00;
	[tilespmem:s6+$0x470] =	vst v0  }
0x19: {  	[tilespmem:s6+$0x400] =	vst v0  }
0x1a: {  	[tilespmem:s6+$0x410] =	vst v0  }
.Ltmp0:
0x1b: {  	[tilespmem:s6+$0x420] =	vst v0;
	(pc) =	sbr.rel @p0 .LBB2_2-.Ltmp0, $4  }
0x1c: {  	[tilespmem:s6+$0x430] =	vst v0  }
0x1d: {  	[tilespmem:s6+$0x440] =	vst v0  }
0x1e: {  	[tilespmem:s6+$0x450] =	vst v0  }
0x1f: {  	[tilespmem:s6+$0x460] =	vst v0;
	s6 =	sshra.s32 s8, $0x2;
	s8 =	sadd.s32 $0x200, s8  }
0x20: {  	[tilespmem:s6+$0x470] =	vst v0  }
0x21: {  	[tilespmem:s6+$0x400] =	vst v0  }
0x22: {  	[tilespmem:s6+$0x410] =	vst v0  }
0x23: {  	[tilespmem:s6+$0x420] =	vst v0  }
0x24: {  	[tilespmem:s6+$0x430] =	vst v0  }
0x25: {  	[tilespmem:s6+$0x440] =	vst v0  }
0x26: {  	[tilespmem:s6+$0x450] =	vst v0  }
0x27: {  	[tilespmem:s6+$0x460] =	vst v0  }
0x28: {  	[spmem:s5] =	stream.linear.scatter [tilespmem:s16], [sflag:$0x7], $0x4000, $0x38;
	[tilespmem:$0x1C000] =	vst v63  }
0x29: {  	_ =	swait.ge [sflag:s17], $0x4000  }
0x2a: {  	[sflag:s17] =	ssyncset.done $0x0  }
0x2b: {  	s11 =	rddreg [dreg:$0x7];
	[sflag:s17] =	ssyncadd.s32 $0xFFFFC000  }
0x2c: {  	[spmem:s11] =	stream.linear.scatter [tilespmem:s16], [sflag:$0x7], $0x4000, $0x38;
	[tilespmem:$0x1C000] =	vst v63  }
0x2d: {  	_ =	swait.ge [sflag:s17], $0x4000  }
0x2e: {  	[sflag:s17] =	ssyncset.done $0x0  }
0x2f: {  	[sflag:s17] =	ssyncadd.s32 $0xFFFFC000  }
0x30: {  	[spmem:s12] =	stream.linear.scatter [tilespmem:s16], [sflag:$0x7], $0x4000, $0x38;
	[tilespmem:$0x1C000] =	vst v63  }
0x31: {  	_ =	swait.ge [sflag:s17], $0x4000  }
0x32: {  	[sflag:s17] =	ssyncset.done $0x0  }
0x33: {  	[sflag:s17] =	ssyncadd.s32 $0xFFFFC000  }
0x34: {  	[spmem:s13] =	stream.linear.scatter [tilespmem:s16], [sflag:$0x7], $0x4000, $0x38;
	[tilespmem:$0x1C000] =	vst v63  }
0x35: {  	_ =	swait.ge [sflag:s17], $0x4000  }
0x36: {  	[sflag:s17] =	ssyncset.done $0x0  }
0x37: {  	s8 =	rddreg [dreg:$0x3];
	[sflag:s17] =	ssyncadd.s32 $0xFFFFC000  }
0x38: {  	[spmem:s8] =	stream.linear.scatter [tilespmem:s16], [sflag:$0x7], $0x3C00, $0x38;
	[tilespmem:$0x1C000] =	vst v63  }
0x39: {  	_ =	swait.ge [sflag:s17], $0x3C00  }
0x3a: {  	[sflag:s17] =	ssyncset.done $0x0  }
0x3b: {  	[sflag:s17] =	ssyncadd.s32 $0xFFFFC400  }
0x3c: {  	s9 =	simm.s32 $0x0;
	[bflag:$0x0] =	sbarrier.arrive $0xFFFF  }
0x3d: {  	[tilespmem:s9], [sflag:$0x1] =	stream.linear.gather [hbm4b:s7+s9], $0x200, $0x38;
	[tilespmem:$0x1C000] =	vst v63  }
0x3e: {  	s10 =	sadd.s32 $0x0, s15  }
0x3f: {  	[tilespmem:s18], [sflag:$0x2] =	stream.linear.gather [hbm4b:s10+s3], $0x200, $0x38;
	[tilespmem:$0x1C000] =	vst v63  }
0x40: {  	_ =	swait.ge [sflag:s19], $0x200  }
0x41: {  	[sflag:s19] =	ssyncset.done $0x0  }
0x42: {  	[sflag:s19] =	ssyncadd.s32 $0xFFFFFE00  }
0x43: {  	[tilespmem:s16], [sflag:$0x3] =	stream.indirect.gather [hbm4b:s4+s20], $0x80, s3, s20, $0xb8;
	[tilespmem:$0x1C000] =	vst v63  }
0x44: {  	_ = 	snop  }
0x45: {  	[tilespmem:s22], [sflag:$0x4] =	stream.indirect.gather [hbm4b:s4+s20], $0x80, s21, s20, $0xb8;
	[tilespmem:$0x1C000] =	vst v63  }
0x46: {  	_ =	swait.ge [sflag:s23], $0x4000  }
0x47: {  	[sflag:s23] =	ssyncset.done $0x0  }
0x48: {  	[sflag:s23] =	ssyncadd.s32 $0xFFFFC000  }
0x49: {  	[spmem:s2] =	stream.indirect.scatter.add.f32 [tilespmem:s16], [sflag:$0x5], $0x80, s20, s20, $0xb8;
	[tilespmem:$0x1C000] =	vst v63  }
0x4a: {  	_ =	swait.ge [sflag:s24], $0x4000  }
0x4b: {  	[sflag:s24] =	ssyncset.done $0x0  }
0x4c: {  	[sflag:s24] =	ssyncadd.s32 $0xFFFFC000  }
0x4d: {  	[spmem:s2] =	stream.indirect.scatter.add.f32 [tilespmem:s22], [sflag:$0x6], $0x80, s25, s20, $0xb8;
	[tilespmem:$0x1C000] =	vst v63  }
0x4e: {  	s11 =	sadd.s32 $0x0, s14  }
0x4f: {  	[tilespmem:s3], [sflag:$0x1] =	stream.linear.gather [hbm4b:s11+s3], $0x200, $0x38;
	[tilespmem:$0x1C000] =	vst v63  }
0x50: {  	_ =	swait.ge [sflag:s26], $0x200  }
0x51: {  	[sflag:s26] =	ssyncset.done $0x0  }
0x52: {  	[sflag:s26] =	ssyncadd.s32 $0xFFFFFE00  }
0x53: {  	_ =	swait.ge [sflag:s28], $0x4000  }
0x54: {  	[sflag:s28] =	ssyncset.done $0x0  }
0x55: {  	[sflag:s28] =	ssyncadd.s32 $0xFFFFC000  }
0x56: {  	[tilespmem:s16], [sflag:$0x3] =	stream.indirect.gather [hbm4b:s4+s20], $0x80, s18, s20, $0xb8;
	[tilespmem:$0x1C000] =	vst v63  }
0x57: {  	_ =	swait.ge [sflag:s29], $0x4000  }
0x58: {  	[sflag:s29] =	ssyncset.done $0x0  }
0x59: {  	[sflag:s29] =	ssyncadd.s32 $0xFFFFC000  }
0x5a: {  	[tilespmem:s22], [sflag:$0x4] =	stream.indirect.gather [hbm4b:s4+s20], $0x80, s30, s20, $0xb8;
	[tilespmem:$0x1C000] =	vst v63  }
0x5b: {  	_ =	swait.ge [sflag:s23], $0x4000  }
0x5c: {  	[sflag:s23] =	ssyncset.done $0x0  }
0x5d: {  	[sflag:s23] =	ssyncadd.s32 $0xFFFFC000  }
0x5e: {  	[spmem:s2] =	stream.indirect.scatter.add.f32 [tilespmem:s16], [sflag:$0x5], $0x80, s31, s20, $0xb8;
	[tilespmem:$0x1C000] =	vst v63  }
0x5f: {  	_ =	swait.ge [sflag:s24], $0x4000  }
0x60: {  	[sflag:s24] =	ssyncset.done $0x0  }
0x61: {  	[sflag:s24] =	ssyncadd.s32 $0xFFFFC000  }
0x62: {  	[spmem:s2] =	stream.indirect.scatter.add.f32 [tilespmem:s22], [sflag:$0x6], $0x80, s0, s20, $0xb8;
	[tilespmem:$0x1C000] =	vst v63  }
0x63: {  	_ =	swait.ge [sflag:s28], $0x4000  }
0x64: {  	[sflag:s28] =	ssyncset.done $0x0  }
0x65: {  	[sflag:s28] =	ssyncadd.s32 $0xFFFFC000  }
0x66: {  	_ =	swait.ge [sflag:s29], $0x4000  }
0x67: {  	s6 =	simm.s32 $0x80;
	s8 =	simm.s32 $0x100;
	[sflag:s29] =	ssyncset.done $0x0  }
.LBB2_4:
0x68: {  	s10 =	sadd.s32 s6, s15  }
0x69: {  	[sflag:s29] =	ssyncadd.s32 $0xFFFFC000;
	s11 =	smov.u32 s8;
	s9 =	sadd.s32 $0x80, s8  }
0x6a: {  	[tilespmem:s18], [sflag:$0x2] =	stream.linear.gather [hbm4b:s10+s3], $0x200, $0x38;
	[tilespmem:$0x1C000] =	vst v63  }
0x6b: {  	p0 =	sne.s32 s8, $0x2700;
	_ =	swait.ge [sflag:s19], $0x200  }
0x6c: {  	[sflag:s19] =	ssyncset.done $0x0  }
0x6d: {  	[sflag:s19] =	ssyncadd.s32 $0xFFFFFE00  }
0x6e: {  	[tilespmem:s16], [sflag:$0x3] =	stream.indirect.gather [hbm4b:s4+s20], $0x80, s3, s20, $0xb8;
	[tilespmem:$0x1C000] =	vst v63  }
0x6f: {  	_ = 	snop  }
0x70: {  	[tilespmem:s22], [sflag:$0x4] =	stream.indirect.gather [hbm4b:s4+s20], $0x80, s21, s20, $0xb8;
	[tilespmem:$0x1C000] =	vst v63  }
0x71: {  	_ =	swait.ge [sflag:s23], $0x4000  }
0x72: {  	[sflag:s23] =	ssyncset.done $0x0  }
0x73: {  	[sflag:s23] =	ssyncadd.s32 $0xFFFFC000  }
0x74: {  	[spmem:s2] =	stream.indirect.scatter.add.f32 [tilespmem:s16], [sflag:$0x5], $0x80, s20, s20, $0xb8;
	[tilespmem:$0x1C000] =	vst v63  }
0x75: {  	_ =	swait.ge [sflag:s24], $0x4000  }
0x76: {  	[sflag:s24] =	ssyncset.done $0x0  }
0x77: {  	[sflag:s24] =	ssyncadd.s32 $0xFFFFC000  }
0x78: {  	[spmem:s2] =	stream.indirect.scatter.add.f32 [tilespmem:s22], [sflag:$0x6], $0x80, s25, s20, $0xb8;
	[tilespmem:$0x1C000] =	vst v63  }
0x79: {  	s8 =	sadd.s32 s6, s14;
	s6 =	smov.u32 s11  }
0x7a: {  	[tilespmem:s3], [sflag:$0x1] =	stream.linear.gather [hbm4b:s8+s3], $0x200, $0x38;
	[tilespmem:$0x1C000] =	vst v63  }
0x7b: {  	_ =	swait.ge [sflag:s26], $0x200  }
0x7c: {  	[sflag:s26] =	ssyncset.done $0x0  }
0x7d: {  	[sflag:s26] =	ssyncadd.s32 $0xFFFFFE00  }
0x7e: {  	_ =	swait.ge [sflag:s28], $0x4000  }
0x7f: {  	[sflag:s28] =	ssyncset.done $0x0  }
0x80: {  	[sflag:s28] =	ssyncadd.s32 $0xFFFFC000  }
0x81: {  	[tilespmem:s16], [sflag:$0x3] =	stream.indirect.gather [hbm4b:s4+s20], $0x80, s18, s20, $0xb8;
	[tilespmem:$0x1C000] =	vst v63  }
0x82: {  	_ =	swait.ge [sflag:s29], $0x4000  }
0x83: {  	[sflag:s29] =	ssyncset.done $0x0  }
0x84: {  	[sflag:s29] =	ssyncadd.s32 $0xFFFFC000  }
0x85: {  	[tilespmem:s22], [sflag:$0x4] =	stream.indirect.gather [hbm4b:s4+s20], $0x80, s30, s20, $0xb8;
	[tilespmem:$0x1C000] =	vst v63  }
0x86: {  	_ =	swait.ge [sflag:s23], $0x4000  }
0x87: {  	[sflag:s23] =	ssyncset.done $0x0  }
0x88: {  	[sflag:s23] =	ssyncadd.s32 $0xFFFFC000  }
0x89: {  	[spmem:s2] =	stream.indirect.scatter.add.f32 [tilespmem:s16], [sflag:$0x5], $0x80, s31, s20, $0xb8;
	[tilespmem:$0x1C000] =	vst v63  }
0x8a: {  	_ =	swait.ge [sflag:s24], $0x4000  }
0x8b: {  	[sflag:s24] =	ssyncset.done $0x0  }
0x8c: {  	[sflag:s24] =	ssyncadd.s32 $0xFFFFC000  }
0x8d: {  	[spmem:s2] =	stream.indirect.scatter.add.f32 [tilespmem:s22], [sflag:$0x6], $0x80, s0, s20, $0xb8;
	[tilespmem:$0x1C000] =	vst v63  }
.Ltmp1:
0x8e: {  	_ =	swait.ge [sflag:s28], $0x4000;
	(pc) =	sbr.rel @p0 .LBB2_4-.Ltmp1, $4  }
0x8f: {  	[sflag:s28] =	ssyncset.done $0x0  }
0x90: {  	[sflag:s28] =	ssyncadd.s32 $0xFFFFC000  }
0x91: {  	_ =	swait.ge [sflag:s29], $0x4000  }
0x92: {  	s8 =	smov.u32 s9;
	[sflag:s29] =	ssyncset.done $0x0  }
0x93: {  	s8 =	sadd.s32 s6, s15;
	[sflag:s29] =	ssyncadd.s32 $0xFFFFC000  }
0x94: {  	[tilespmem:s18], [sflag:$0x2] =	stream.linear.gather [hbm4b:s8+s3], $0x200, $0x38;
	[tilespmem:$0x1C000] =	vst v63  }
0x95: {  	_ =	swait.ge [sflag:s19], $0x200  }
0x96: {  	[sflag:s19] =	ssyncset.done $0x0  }
0x97: {  	[sflag:s19] =	ssyncadd.s32 $0xFFFFFE00  }
0x98: {  	[tilespmem:s16], [sflag:$0x3] =	stream.indirect.gather [hbm4b:s4+s20], $0x80, s3, s20, $0xb8;
	[tilespmem:$0x1C000] =	vst v63  }
0x99: {  	_ = 	snop  }
0x9a: {  	[tilespmem:s22], [sflag:$0x4] =	stream.indirect.gather [hbm4b:s4+s20], $0x80, s21, s20, $0xb8;
	[tilespmem:$0x1C000] =	vst v63  }
0x9b: {  	_ =	swait.ge [sflag:s23], $0x4000  }
0x9c: {  	[sflag:s23] =	ssyncset.done $0x0  }
0x9d: {  	[sflag:s23] =	ssyncadd.s32 $0xFFFFC000  }
0x9e: {  	[spmem:s2] =	stream.indirect.scatter.add.f32 [tilespmem:s16], [sflag:$0x5], $0x80, s20, s20, $0xb8;
	[tilespmem:$0x1C000] =	vst v63  }
0x9f: {  	_ =	swait.ge [sflag:s24], $0x4000  }
0xa0: {  	[sflag:s24] =	ssyncset.done $0x0  }
0xa1: {  	[sflag:s24] =	ssyncadd.s32 $0xFFFFC000  }
0xa2: {  	[spmem:s2] =	stream.indirect.scatter.add.f32 [tilespmem:s22], [sflag:$0x6], $0x80, s25, s20, $0xb8;
	[tilespmem:$0x1C000] =	vst v63  }
0xa3: {  	s11 =	sadd.s32 s6, s14  }
0xa4: {  	[tilespmem:s3], [sflag:$0x1] =	stream.linear.gather [hbm4b:s11+s3], $0x200, $0x38;
	[tilespmem:$0x1C000] =	vst v63  }
0xa5: {  	_ =	swait.ge [sflag:s26], $0x200  }
0xa6: {  	[sflag:s26] =	ssyncset.done $0x0  }
0xa7: {  	[sflag:s26] =	ssyncadd.s32 $0xFFFFFE00  }
0xa8: {  	_ =	swait.ge [sflag:s28], $0x4000  }
0xa9: {  	[sflag:s28] =	ssyncset.done $0x0  }
0xaa: {  	[sflag:s28] =	ssyncadd.s32 $0xFFFFC000  }
0xab: {  	[tilespmem:s16], [sflag:$0x3] =	stream.indirect.gather [hbm4b:s4+s20], $0x80, s18, s20, $0xb8;
	[tilespmem:$0x1C000] =	vst v63  }
0xac: {  	_ =	swait.ge [sflag:s29], $0x4000  }
0xad: {  	[sflag:s29] =	ssyncset.done $0x0  }
0xae: {  	[sflag:s29] =	ssyncadd.s32 $0xFFFFC000  }
0xaf: {  	[tilespmem:s22], [sflag:$0x4] =	stream.indirect.gather [hbm4b:s4+s20], $0x80, s30, s20, $0xb8;
	[tilespmem:$0x1C000] =	vst v63  }
0xb0: {  	_ =	swait.ge [sflag:s23], $0x4000  }
0xb1: {  	[sflag:s23] =	ssyncset.done $0x0  }
0xb2: {  	[sflag:s23] =	ssyncadd.s32 $0xFFFFC000  }
0xb3: {  	[spmem:s2] =	stream.indirect.scatter.add.f32 [tilespmem:s16], [sflag:$0x5], $0x80, s31, s20, $0xb8;
	[tilespmem:$0x1C000] =	vst v63  }
0xb4: {  	_ =	swait.ge [sflag:s24], $0x4000  }
0xb5: {  	[sflag:s24] =	ssyncset.done $0x0  }
0xb6: {  	[sflag:s24] =	ssyncadd.s32 $0xFFFFC000  }
0xb7: {  	[spmem:s2] =	stream.indirect.scatter.add.f32 [tilespmem:s22], [sflag:$0x6], $0x80, s0, s20, $0xb8;
	[tilespmem:$0x1C000] =	vst v63  }
0xb8: {  	_ =	swait.ge [sflag:s28], $0x4000  }
0xb9: {  	[sflag:s28] =	ssyncset.done $0x0  }
0xba: {  	[sflag:s28] =	ssyncadd.s32 $0xFFFFC000  }
0xbb: {  	_ =	swait.ge [sflag:s29], $0x4000  }
0xbc: {  	[sflag:s29] =	ssyncset.done $0x0  }
0xbd: {  	s8 =	rddreg [dreg:$0x6];
	[sflag:s29] =	ssyncadd.s32 $0xFFFFC000  }
0xbe: {  	[tilespmem:s18], [sflag:$0x2] =	stream.linear.gather [hbm4b:s8+s3], $0x200, $0x38;
	[tilespmem:$0x1C000] =	vst v63  }
0xbf: {  	_ =	swait.ge [sflag:s19], $0x200  }
0xc0: {  	[sflag:s19] =	ssyncset.done $0x0  }
0xc1: {  	[sflag:s19] =	ssyncadd.s32 $0xFFFFFE00  }
0xc2: {  	[tilespmem:s16], [sflag:$0x3] =	stream.indirect.gather [hbm4b:s4+s20], $0x80, s3, s20, $0xb8;
	[tilespmem:$0x1C000] =	vst v63  }
0xc3: {  	_ = 	snop  }
0xc4: {  	[tilespmem:s22], [sflag:$0x4] =	stream.indirect.gather [hbm4b:s4+s20], $0x80, s21, s20, $0xb8;
	[tilespmem:$0x1C000] =	vst v63  }
0xc5: {  	_ =	swait.ge [sflag:s23], $0x4000  }
0xc6: {  	[sflag:s23] =	ssyncset.done $0x0  }
0xc7: {  	[sflag:s23] =	ssyncadd.s32 $0xFFFFC000  }
0xc8: {  	[spmem:s2] =	stream.indirect.scatter.add.f32 [tilespmem:s16], [sflag:$0x5], $0x80, s20, s20, $0xb8;
	[tilespmem:$0x1C000] =	vst v63  }
0xc9: {  	_ =	swait.ge [sflag:s24], $0x4000  }
0xca: {  	[sflag:s24] =	ssyncset.done $0x0  }
0xcb: {  	[sflag:s24] =	ssyncadd.s32 $0xFFFFC000  }
0xcc: {  	[spmem:s2] =	stream.indirect.scatter.add.f32 [tilespmem:s22], [sflag:$0x6], $0x80, s25, s20, $0xb8;
	[tilespmem:$0x1C000] =	vst v63  }
0xcd: {  	_ =	swait.ge [sflag:s26], $0x200  }
0xce: {  	[sflag:s26] =	ssyncset.done $0x0  }
0xcf: {  	[sflag:s26] =	ssyncadd.s32 $0xFFFFFE00  }
0xd0: {  	_ =	swait.ge [sflag:s28], $0x4000  }
0xd1: {  	[sflag:s28] =	ssyncset.done $0x0  }
0xd2: {  	[sflag:s28] =	ssyncadd.s32 $0xFFFFC000  }
0xd3: {  	[tilespmem:s16], [sflag:$0x3] =	stream.indirect.gather [hbm4b:s4+s20], $0x80, s18, s20, $0xb8;
	[tilespmem:$0x1C000] =	vst v63  }
0xd4: {  	_ =	swait.ge [sflag:s29], $0x4000  }
0xd5: {  	[sflag:s29] =	ssyncset.done $0x0  }
0xd6: {  	[sflag:s29] =	ssyncadd.s32 $0xFFFFC000  }
0xd7: {  	[tilespmem:s22], [sflag:$0x4] =	stream.indirect.gather [hbm4b:s4+s20], $0x80, s30, s20, $0xb8;
	[tilespmem:$0x1C000] =	vst v63  }
0xd8: {  	_ =	swait.ge [sflag:s23], $0x4000  }
0xd9: {  	[sflag:s23] =	ssyncset.done $0x0  }
0xda: {  	[sflag:s23] =	ssyncadd.s32 $0xFFFFC000  }
0xdb: {  	[spmem:s2] =	stream.indirect.scatter.add.f32 [tilespmem:s16], [sflag:$0x5], $0x80, s31, s20, $0xb8;
	[tilespmem:$0x1C000] =	vst v63  }
0xdc: {  	_ =	swait.ge [sflag:s24], $0x4000  }
0xdd: {  	[sflag:s24] =	ssyncset.done $0x0  }
0xde: {  	[sflag:s24] =	ssyncadd.s32 $0xFFFFC000  }
0xdf: {  	[spmem:s2] =	stream.indirect.scatter.add.f32 [tilespmem:s22], [sflag:$0x6], $0x80, s0, s20, $0xb8;
	[tilespmem:$0x1C000] =	vst v63  }
0xe0: {  	_ =	swait.ge [sflag:s28], $0x4000  }
0xe1: {  	[sflag:s28] =	ssyncset.done $0x0  }
0xe2: {  	[sflag:s28] =	ssyncadd.s32 $0xFFFFC000  }
0xe3: {  	_ =	swait.ge [sflag:s29], $0x4000  }
0xe4: {  	[sflag:s29] =	ssyncset.done $0x0  }
0xe5: {  	s9 =	stileid.u32;
	[sflag:s29] =	ssyncadd.s32 $0xFFFFC000  }
0xe6: {  	s6 =	sshll.u32 s9, $0x6;
	[bflag:$0x0] =	sbarrier.arrive $0xFFFF  }
0xe7: {  	s10 =	sshrl.u32 s5, $0x3;
	s6 =	sor.u32 $0x1C07, s6;
	s9 =	rddreg [dreg:$0x4]  }
0xe8: {  	[hbm:s9], [sflag:s6] =	dma.local [spmem:s10], $0x2780  }
0xe9: {  	_ =	swait.ge [sflag:s17], $0x2780  }
0xea: {  	s1 =	sadd.s32 $0x1, s1;
	s11 =	rddreg [dreg:$0x5]  }
0xeb: {  	p0 =	sne.s32 s1, s11  }
.Ltmp2:
0xec: {  	_ = 	snop;
	(pc) =	sbr.rel @p0 .LBB2_1-.Ltmp2, $3  }
0xed: {  	_ =	sdelay $0x1  }
0xee: {  	[sflag:s17] =	ssyncset.done $0x0  }
0xef: {  	[sflag:s17] =	ssyncadd.s32 $0xFFFFD880  }
0xf0: {  	_ =	sfence.sel $0x180000  }
0xf1: {  	[bflag:$0x0] =	sbarrier.arrive $0xFFFF  }
0xf2: {  	_ =	strace $0x90000047  }
0xf3: {  	s0 =	stileid.u32;
	[bflag:$0x2] =	sbarrier.arrive $0xFFFF  }
0xf4: {  	p0 =	sne.s32 s0, $0x0;
	s0 =	rddreg [dreg:$0x2]  }
0xf5: {  	s0 =	sadd.s32 @!p0 $0x100000, s0  }
0xf6: {  	[sflag:s0] =	ssyncadd.tile.s32 @!p0 $0x1;
	_ =	shalt  }
.Lfunc_end2:
_tile_overlayer_lowered:
.L_overlay_start_2:
0xf7: {  	(tag) =	ssettag $0x2  }
0xf8: {  	s0 =	rddreg [dreg:$0x0];
	s2 =	stileid.u32  }
0xf9: {  	s1 =	rddreg [dreg:$0x1];
	p0 =	sne.s32 s2, $0x0  }
0xfa: {  	s3 =	rddreg [dreg:$0x2];
	[bflag:$0x3] =	sbarrier.arrive $0xFFFF;
	s2 =	simm.s32 @!p0 $0x1C07  }
0xfb: {  	[timem:s3], [sflag:s2] =	dma.local @!p0 [hbm:s0], s1  }
0xfc: {  	s0 =	simm.s32 @!p0 $0x7  }
0xfd: {  	_ =	swait.ge @!p0 [sflag:s0], s1  }
0xfe: {  	s1 =	ssub.s32 @!p0 $0x0, s1;
	[sflag:s0] =	ssyncset.done @!p0 $0x0  }
0xff: {  	[sflag:s0] =	ssyncadd.s32 @!p0 s1  }
0x100: {  	[bflag:$0x3] =	sbarrier.arrive $0xFFFF  }
0x101: {  	_ =	shalt  }

</sc_bundles>
